<compile_context>
chip_gen: v7x
topology: tpu7x:2x2x1
jax: 0.10.2.dev20260603
libtpu: 0.0.44.dev20260713+nightly
codegen_flags: <defaults>
</compile_context>

<pallas_src>
import functools

import jax
import jax.numpy as jnp
from jax import lax
from jax.experimental import pallas as pl
from jax.experimental.pallas import tpu as pltpu
from jax.experimental.pallas import tpu_sc as plsc

_L = 16
_NC, _NS = 2, 16
_NW = _NC * _NS
_CR = 4000


def _q_sample_sc(xf, t, nf, tab_ab, tab_mab, num_chunks):
  tlen = tab_ab.shape[0]
  n = t.shape[0]
  nk_max = (num_chunks + _NW - 1) // _NW
  mesh = plsc.VectorSubcoreMesh(
      core_axis_name="c", subcore_axis_name="s",
      num_cores=_NC, num_subcores=_NS)

  @functools.partial(
      pl.kernel,
      out_type=jax.ShapeDtypeStruct((3 * n,), jnp.float32),
      mesh=mesh,
      compiler_params=pltpu.CompilerParams(
          needs_layout_passes=False, use_tc_tiling_on_sc=False),
      scratch_types=[
          pltpu.VMEM((tlen,), jnp.float32),
          pltpu.VMEM((tlen,), jnp.float32),
          [[pltpu.VMEM((_CR,), jnp.float32)] * 6] * 2,
          [[pltpu.VMEM((_CR,), jnp.float32)] * 3] * 2,
          [pltpu.VMEM((_CR,), jnp.int32)] * 2,
          [pltpu.SemaphoreType.DMA] * 2,
          [pltpu.SemaphoreType.DMA] * 2,
      ],
  )
  def k(xf_h, t_hbm, nf_h, ab_hbm, mab_hbm, out_hbm,
        ab_v, mab_v, in_v, out_v, t_v, sem_in, sem_out):
    wid = lax.axis_index("s") * _NC + lax.axis_index("c")
    pltpu.sync_copy(ab_hbm, ab_v)
    pltpu.sync_copy(mab_hbm, mab_v)
    nk = (num_chunks - 1 - wid) // _NW + 1

    def roff_of(c):
      return (c * _NW + wid) * _CR

    def issue_in(c, b):
      roff = roff_of(c)
      for j in range(3):
        pltpu.make_async_copy(
            xf_h.at[pl.ds(j * n + roff, _CR)], in_v[b][j], sem_in[b]).start()
        pltpu.make_async_copy(
            nf_h.at[pl.ds(j * n + roff, _CR)], in_v[b][j + 3], sem_in[b]).start()
      pltpu.make_async_copy(t_hbm.at[pl.ds(roff, _CR)], t_v[b], sem_in[b]).start()

    def wait_in(c, b):
      roff = roff_of(c)
      for j in range(3):
        pltpu.make_async_copy(
            xf_h.at[pl.ds(j * n + roff, _CR)], in_v[b][j], sem_in[b]).wait()
        pltpu.make_async_copy(
            nf_h.at[pl.ds(j * n + roff, _CR)], in_v[b][j + 3], sem_in[b]).wait()
      pltpu.make_async_copy(t_hbm.at[pl.ds(roff, _CR)], t_v[b], sem_in[b]).wait()

    def issue_out(c, b):
      roff = roff_of(c)
      for j in range(3):
        pltpu.make_async_copy(
            out_v[b][j], out_hbm.at[pl.ds(j * n + roff, _CR)], sem_out[b]).start()

    def wait_out(c, b):
      roff = roff_of(c)
      for j in range(3):
        pltpu.make_async_copy(
            out_v[b][j], out_hbm.at[pl.ds(j * n + roff, _CR)], sem_out[b]).wait()

    def compute(b):
      def inner(i, c):
        sl = pl.ds(i * _L, _L)
        tv = t_v[b][sl]
        s_ab = plsc.load_gather(ab_v, [tv])
        s_mab = plsc.load_gather(mab_v, [tv])
        for j in range(3):
          out_v[b][j][sl] = s_ab * in_v[b][j][sl] + s_mab * in_v[b][j + 3][sl]
        return c

      lax.fori_loop(0, _CR // _L, inner, 0)

    issue_in(0, 0)

    def pair_body(p, carry):
      for b in range(2):
        c = 2 * p + b

        @pl.when(c < nk)
        def _():
          @pl.when(c + 1 < nk)
          def _():
            issue_in(c + 1, 1 - b)

          wait_in(c, b)

          @pl.when(c >= 2)
          def _():
            wait_out(c - 2, b)

          compute(b)
          issue_out(c, b)

      return carry

    lax.fori_loop(0, (nk_max + 1) // 2, pair_body, 0)
    wait_out(0, 0)
    wait_out(0, 1)

  return k(xf, t, nf, tab_ab, tab_mab)


def kernel(x_0, t, noise, sqrt_alpha_bar, sqrt_one_minus_alpha_bar):
  n = x_0.shape[0]
  assert n % _CR == 0
  outf = _q_sample_sc(
      x_0.T.reshape(-1),
      t.astype(jnp.int32),
      noise.T.reshape(-1),
      sqrt_alpha_bar,
      sqrt_one_minus_alpha_bar,
      n // _CR,
  )
  out = outf.reshape(3, n).T
  return out, noise

# --- scband reference (transcript-rebuilt; emitter-appended) ---
"""Pipeline reference for scband-ddpmschedule-27771258536921 (READ-ONLY COPY).

The authoritative reference and input builder live on the scoring server;
editing this copy changes nothing except your own understanding.
"""

import jax, jax.numpy as jnp
import numpy as np

T = 1000
N = 1000000

def _make_schedule(T):
    beta = jnp.linspace(0.0001, 0.02, T, dtype=jnp.float32)
    alpha = 1.0 - beta
    alpha_bar = jnp.cumprod(alpha, axis=0)
    sqrt_alpha_bar = jnp.sqrt(alpha_bar)
    sqrt_one_minus_alpha_bar = jnp.sqrt(1.0 - alpha_bar)
    return sqrt_alpha_bar, sqrt_one_minus_alpha_bar

def setup_inputs(seed: int = 0) -> dict:
    key = jax.random.key(seed)
    k1, k2, k3 = jax.random.split(key, 3)
    x_0 = jax.random.normal(k1, (N, 3), dtype=jnp.float32)
    noise = jax.random.normal(k2, (N, 3), dtype=jnp.float32)
    t = jax.random.randint(k3, (N,), 0, T, dtype=jnp.int64) if jax.config.jax_enable_x64 else jax.random.randint(k3, (N,), 0, T, dtype=jnp.int32)
    sqrt_alpha_bar, sqrt_one_minus_alpha_bar = _make_schedule(T)
    return {
        "x_0": x_0,
        "t": t,
        "noise": noise,
        "sqrt_alpha_bar": sqrt_alpha_bar,
        "sqrt_one_minus_alpha_bar": sqrt_one_minus_alpha_bar,
    }

def reference(x_0, t, noise, sqrt_alpha_bar, sqrt_one_minus_alpha_bar):
    # q_sample: x_t = sqrt(alpha_bar_t) * x_0 + sqrt(1 - alpha_bar_t) * noise
    sqrt_ab = jnp.take(sqrt_alpha_bar, t, axis=0)[:, None]
    sqrt_1mab = jnp.take(sqrt_one_minus_alpha_bar, t, axis=0)[:, None]
    x_t = sqrt_ab * x_0 + sqrt_1mab * noise
    return (x_t, noise)

if __name__ == "__main__":
    import jax
    _d = setup_inputs()
    print(jax.jit(kernel)(*tuple(_d.values())))

</pallas_src>

<mosaic_0001>
#map = affine_map<(d0, d1) -> (0)>
module attributes {stable_mosaic.version = 14 : i64} {
  func.func @k(%arg0: i32, %arg1: i32, %arg2: memref<3000000xf32, #tpu.memory_space<hbm>>, %arg3: memref<1000000xi32, #tpu.memory_space<hbm>>, %arg4: memref<3000000xf32, #tpu.memory_space<hbm>>, %arg5: memref<1000xf32, #tpu.memory_space<hbm>>, %arg6: memref<1000xf32, #tpu.memory_space<hbm>>, %arg7: memref<3000000xf32, #tpu.memory_space<hbm>>, %arg8: memref<1000xf32, #tpu.memory_space<vmem>>, %arg9: memref<1000xf32, #tpu.memory_space<vmem>>, %arg10: memref<4000xf32, #tpu.memory_space<vmem>>, %arg11: memref<4000xf32, #tpu.memory_space<vmem>>, %arg12: memref<4000xf32, #tpu.memory_space<vmem>>, %arg13: memref<4000xf32, #tpu.memory_space<vmem>>, %arg14: memref<4000xf32, #tpu.memory_space<vmem>>, %arg15: memref<4000xf32, #tpu.memory_space<vmem>>, %arg16: memref<4000xf32, #tpu.memory_space<vmem>>, %arg17: memref<4000xf32, #tpu.memory_space<vmem>>, %arg18: memref<4000xf32, #tpu.memory_space<vmem>>, %arg19: memref<4000xf32, #tpu.memory_space<vmem>>, %arg20: memref<4000xf32, #tpu.memory_space<vmem>>, %arg21: memref<4000xf32, #tpu.memory_space<vmem>>, %arg22: memref<4000xf32, #tpu.memory_space<vmem>>, %arg23: memref<4000xf32, #tpu.memory_space<vmem>>, %arg24: memref<4000xf32, #tpu.memory_space<vmem>>, %arg25: memref<4000xf32, #tpu.memory_space<vmem>>, %arg26: memref<4000xf32, #tpu.memory_space<vmem>>, %arg27: memref<4000xf32, #tpu.memory_space<vmem>>, %arg28: memref<4000xi32, #tpu.memory_space<vmem>>, %arg29: memref<4000xi32, #tpu.memory_space<vmem>>, %arg30: memref<!tpu.dma_semaphore, #tpu.memory_space<semaphore_mem>>, %arg31: memref<!tpu.dma_semaphore, #tpu.memory_space<semaphore_mem>>, %arg32: memref<!tpu.dma_semaphore, #tpu.memory_space<semaphore_mem>>, %arg33: memref<!tpu.dma_semaphore, #tpu.memory_space<semaphore_mem>>) attributes {dimension_semantics = [#tpu.dimension_semantics<core_parallel>, #tpu.dimension_semantics<subcore_parallel>], iteration_bounds = array<i64: 2, 16>, scalar_prefetch = 0 : i64, scratch_operands = 26 : i64, tpu.core_type = #tpu.core_type<sc_vector_subcore>, window_params = [{transform_indices = #map}, {transform_indices = #map}, {transform_indices = #map}, {transform_indices = #map}, {transform_indices = #map}, {transform_indices = #map}]} {
    %mul3A = arith.constant 2 : i32
    %mul3A_0 = arith.muli %arg1, %mul3A : i32
    %add3A = arith.addi %mul3A_0, %arg0 : i32
    "tpu.region"() ({
      %run_scoped3A = tpu.sem_alloc : memref<!tpu.dma_semaphore, #tpu.memory_space<semaphore_mem>>
      tpu.enqueue_dma source(%arg5 : memref<1000xf32, #tpu.memory_space<hbm>>) target(%arg8 : memref<1000xf32, #tpu.memory_space<vmem>>) target_semaphore(%run_scoped3A : memref<!tpu.dma_semaphore, #tpu.memory_space<semaphore_mem>>)
      tpu.wait_dma2 semaphore(%run_scoped3A : memref<!tpu.dma_semaphore, #tpu.memory_space<semaphore_mem>>) src(%arg5 : memref<1000xf32, #tpu.memory_space<hbm>>) dst(%arg8 : memref<1000xf32, #tpu.memory_space<vmem>>)
      tpu.yield
    }) : () -> ()
    "tpu.region"() ({
      %run_scoped3A = tpu.sem_alloc : memref<!tpu.dma_semaphore, #tpu.memory_space<semaphore_mem>>
      tpu.enqueue_dma source(%arg6 : memref<1000xf32, #tpu.memory_space<hbm>>) target(%arg9 : memref<1000xf32, #tpu.memory_space<vmem>>) target_semaphore(%run_scoped3A : memref<!tpu.dma_semaphore, #tpu.memory_space<semaphore_mem>>)
      tpu.wait_dma2 semaphore(%run_scoped3A : memref<!tpu.dma_semaphore, #tpu.memory_space<semaphore_mem>>) src(%arg6 : memref<1000xf32, #tpu.memory_space<hbm>>) dst(%arg9 : memref<1000xf32, #tpu.memory_space<vmem>>)
      tpu.yield
    }) : () -> ()
    %sub3A = arith.constant 249 : i32
    %sub3A_1 = arith.subi %sub3A, %add3A : i32
    %jit3A = arith.constant 32 : i32
    %div3A = arith.divsi %sub3A_1, %jit3A : i32
    %sign3A = arith.constant 0 : i32
    %sign3A_2 = arith.cmpi sgt, %sub3A_1, %sign3A : i32
    %sign3A_3 = arith.extui %sign3A_2 : i1 to i32
    %sign3A_4 = arith.constant 0 : i32
    %sign3A_5 = arith.cmpi slt, %sub3A_1, %sign3A_4 : i32
    %sign3A_6 = arith.extui %sign3A_5 : i1 to i32
    %sign3A_7 = arith.subi %sign3A_3, %sign3A_6 : i32
    %sign3A_8 = arith.constant 0 : i32
    %sign3A_9 = arith.cmpi sgt, %jit3A, %sign3A_8 : i32
    %sign3A_10 = arith.extui %sign3A_9 : i1 to i32
    %sign3A_11 = arith.constant 0 : i32
    %sign3A_12 = arith.cmpi slt, %jit3A, %sign3A_11 : i32
    %sign3A_13 = arith.extui %sign3A_12 : i1 to i32
    %sign3A_14 = arith.subi %sign3A_10, %sign3A_13 : i32
    %ne3A = arith.cmpi ne, %sign3A_7, %sign3A_14 : i32
    %rem3A = arith.remsi %sub3A_1, %jit3A : i32
    %ne3A_15 = arith.constant 0 : i32
    %ne3A_16 = arith.cmpi ne, %rem3A, %ne3A_15 : i32
    %and3A = arith.andi %ne3A, %ne3A_16 : i1
    %sub3A_17 = arith.constant 1 : i32
    %sub3A_18 = arith.subi %div3A, %sub3A_17 : i32
    %select_n3A = arith.select %and3A, %sub3A_18, %div3A : i32
    %add3A_19 = arith.constant 1 : i32
    %add3A_20 = arith.addi %select_n3A, %add3A_19 : i32
    %add3A_21 = arith.constant 0 : i32
    %add3A_22 = arith.addi %add3A_21, %add3A : i32
    %mul3A_23 = arith.constant 4000 : i32
    %mul3A_24 = arith.muli %add3A_22, %mul3A_23 : i32
    %add3A_25 = arith.constant 0 : i32
    %add3A_26 = arith.addi %add3A_25, %mul3A_24 : i32
    %dma_start3A = tpu.memref_slice %arg2[%add3A_26] : memref<3000000xf32, #tpu.memory_space<hbm>> -> memref<4000xf32, #tpu.memory_space<hbm>>
    %dma_start3A_27 = tpu.memref_slice %arg2[%add3A_26] : memref<3000000xf32, #tpu.memory_space<hbm>> -> memref<4000xf32, #tpu.memory_space<hbm>>
    tpu.enqueue_dma source(%dma_start3A_27 : memref<4000xf32, #tpu.memory_space<hbm>>) target(%arg10 : memref<4000xf32, #tpu.memory_space<vmem>>) target_semaphore(%arg30 : memref<!tpu.dma_semaphore, #tpu.memory_space<semaphore_mem>>)
    %add3A_28 = arith.constant 0 : i32
    %add3A_29 = arith.addi %add3A_28, %mul3A_24 : i32
    %dma_start3A_30 = tpu.memref_slice %arg4[%add3A_29] : memref<3000000xf32, #tpu.memory_space<hbm>> -> memref<4000xf32, #tpu.memory_space<hbm>>
    %dma_start3A_31 = tpu.memref_slice %arg4[%add3A_29] : memref<3000000xf32, #tpu.memory_space<hbm>> -> memref<4000xf32, #tpu.memory_space<hbm>>
    tpu.enqueue_dma source(%dma_start3A_31 : memref<4000xf32, #tpu.memory_space<hbm>>) target(%arg13 : memref<4000xf32, #tpu.memory_space<vmem>>) target_semaphore(%arg30 : memref<!tpu.dma_semaphore, #tpu.memory_space<semaphore_mem>>)
    %add3A_32 = arith.constant 1000000 : i32
    %add3A_33 = arith.addi %add3A_32, %mul3A_24 : i32
    %dma_start3A_34 = tpu.memref_slice %arg2[%add3A_33] : memref<3000000xf32, #tpu.memory_space<hbm>> -> memref<4000xf32, #tpu.memory_space<hbm>>
    %dma_start3A_35 = tpu.memref_slice %arg2[%add3A_33] : memref<3000000xf32, #tpu.memory_space<hbm>> -> memref<4000xf32, #tpu.memory_space<hbm>>
    tpu.enqueue_dma source(%dma_start3A_35 : memref<4000xf32, #tpu.memory_space<hbm>>) target(%arg11 : memref<4000xf32, #tpu.memory_space<vmem>>) target_semaphore(%arg30 : memref<!tpu.dma_semaphore, #tpu.memory_space<semaphore_mem>>)
    %add3A_36 = arith.constant 1000000 : i32
    %add3A_37 = arith.addi %add3A_36, %mul3A_24 : i32
    %dma_start3A_38 = tpu.memref_slice %arg4[%add3A_37] : memref<3000000xf32, #tpu.memory_space<hbm>> -> memref<4000xf32, #tpu.memory_space<hbm>>
    %dma_start3A_39 = tpu.memref_slice %arg4[%add3A_37] : memref<3000000xf32, #tpu.memory_space<hbm>> -> memref<4000xf32, #tpu.memory_space<hbm>>
    tpu.enqueue_dma source(%dma_start3A_39 : memref<4000xf32, #tpu.memory_space<hbm>>) target(%arg14 : memref<4000xf32, #tpu.memory_space<vmem>>) target_semaphore(%arg30 : memref<!tpu.dma_semaphore, #tpu.memory_space<semaphore_mem>>)
    %add3A_40 = arith.constant 2000000 : i32
    %add3A_41 = arith.addi %add3A_40, %mul3A_24 : i32
    %dma_start3A_42 = tpu.memref_slice %arg2[%add3A_41] : memref<3000000xf32, #tpu.memory_space<hbm>> -> memref<4000xf32, #tpu.memory_space<hbm>>
    %dma_start3A_43 = tpu.memref_slice %arg2[%add3A_41] : memref<3000000xf32, #tpu.memory_space<hbm>> -> memref<4000xf32, #tpu.memory_space<hbm>>
    tpu.enqueue_dma source(%dma_start3A_43 : memref<4000xf32, #tpu.memory_space<hbm>>) target(%arg12 : memref<4000xf32, #tpu.memory_space<vmem>>) target_semaphore(%arg30 : memref<!tpu.dma_semaphore, #tpu.memory_space<semaphore_mem>>)
    %add3A_44 = arith.constant 2000000 : i32
    %add3A_45 = arith.addi %add3A_44, %mul3A_24 : i32
    %dma_start3A_46 = tpu.memref_slice %arg4[%add3A_45] : memref<3000000xf32, #tpu.memory_space<hbm>> -> memref<4000xf32, #tpu.memory_space<hbm>>
    %dma_start3A_47 = tpu.memref_slice %arg4[%add3A_45] : memref<3000000xf32, #tpu.memory_space<hbm>> -> memref<4000xf32, #tpu.memory_space<hbm>>
    tpu.enqueue_dma source(%dma_start3A_47 : memref<4000xf32, #tpu.memory_space<hbm>>) target(%arg15 : memref<4000xf32, #tpu.memory_space<vmem>>) target_semaphore(%arg30 : memref<!tpu.dma_semaphore, #tpu.memory_space<semaphore_mem>>)
    %dma_start3A_48 = tpu.memref_slice %arg3[%mul3A_24] : memref<1000000xi32, #tpu.memory_space<hbm>> -> memref<4000xi32, #tpu.memory_space<hbm>>
    %dma_start3A_49 = tpu.memref_slice %arg3[%mul3A_24] : memref<1000000xi32, #tpu.memory_space<hbm>> -> memref<4000xi32, #tpu.memory_space<hbm>>
    tpu.enqueue_dma source(%dma_start3A_49 : memref<4000xi32, #tpu.memory_space<hbm>>) target(%arg28 : memref<4000xi32, #tpu.memory_space<vmem>>) target_semaphore(%arg30 : memref<!tpu.dma_semaphore, #tpu.memory_space<semaphore_mem>>)
    %scan3A = arith.constant 0 : i32
    %scan3A_50 = arith.constant 0 : i32
    %scan3A_51 = arith.constant 4 : i32
    %scan3A_52 = arith.addi %scan3A_50, %scan3A_51 : i32
    %scan3A_53 = arith.constant 1 : i32
    scf.for %scan3A_86 = %scan3A_50 to %scan3A_52 step %scan3A_53  : i32 {
      %mul3A_87 = arith.constant 2 : i32
      %mul3A_88 = arith.muli %mul3A_87, %scan3A_86 : i32
      %add3A_89 = arith.constant 0 : i32
      %add3A_90 = arith.addi %mul3A_88, %add3A_89 : i32
      %lt3A = arith.cmpi slt, %add3A_90, %add3A_20 : i32
      %convert_element_type3A = arith.extui %lt3A : i1 to i32
      %cond3A = arith.constant 0 : i32
      %cond3A_91 = arith.cmpi ne, %convert_element_type3A, %cond3A : i32
      scf.if %cond3A_91 {
        %add3A_100 = arith.constant 1 : i32
        %add3A_101 = arith.addi %add3A_90, %add3A_100 : i32
        %lt3A_102 = arith.cmpi slt, %add3A_101, %add3A_20 : i32
        %convert_element_type3A_103 = arith.extui %lt3A_102 : i1 to i32
        %cond3A_104 = arith.constant 0 : i32
        %cond3A_105 = arith.cmpi ne, %convert_element_type3A_103, %cond3A_104 : i32
        scf.if %cond3A_105 {
          %add3A_164 = arith.constant 1 : i32
          %add3A_165 = arith.addi %add3A_90, %add3A_164 : i32
          %mul3A_166 = arith.constant 32 : i32
          %mul3A_167 = arith.muli %add3A_165, %mul3A_166 : i32
          %add3A_168 = arith.addi %mul3A_167, %add3A : i32
          %mul3A_169 = arith.constant 4000 : i32
          %mul3A_170 = arith.muli %add3A_168, %mul3A_169 : i32
          %add3A_171 = arith.constant 0 : i32
          %add3A_172 = arith.addi %add3A_171, %mul3A_170 : i32
          %dma_start3A_173 = tpu.memref_slice %arg2[%add3A_172] : memref<3000000xf32, #tpu.memory_space<hbm>> -> memref<4000xf32, #tpu.memory_space<hbm>>
          %dma_start3A_174 = tpu.memref_slice %arg2[%add3A_172] : memref<3000000xf32, #tpu.memory_space<hbm>> -> memref<4000xf32, #tpu.memory_space<hbm>>
          tpu.enqueue_dma source(%dma_start3A_174 : memref<4000xf32, #tpu.memory_space<hbm>>) target(%arg16 : memref<4000xf32, #tpu.memory_space<vmem>>) target_semaphore(%arg31 : memref<!tpu.dma_semaphore, #tpu.memory_space<semaphore_mem>>)
          %add3A_175 = arith.constant 0 : i32
          %add3A_176 = arith.addi %add3A_175, %mul3A_170 : i32
          %dma_start3A_177 = tpu.memref_slice %arg4[%add3A_176] : memref<3000000xf32, #tpu.memory_space<hbm>> -> memref<4000xf32, #tpu.memory_space<hbm>>
          %dma_start3A_178 = tpu.memref_slice %arg4[%add3A_176] : memref<3000000xf32, #tpu.memory_space<hbm>> -> memref<4000xf32, #tpu.memory_space<hbm>>
          tpu.enqueue_dma source(%dma_start3A_178 : memref<4000xf32, #tpu.memory_space<hbm>>) target(%arg19 : memref<4000xf32, #tpu.memory_space<vmem>>) target_semaphore(%arg31 : memref<!tpu.dma_semaphore, #tpu.memory_space<semaphore_mem>>)
          %add3A_179 = arith.constant 1000000 : i32
          %add3A_180 = arith.addi %add3A_179, %mul3A_170 : i32
          %dma_start3A_181 = tpu.memref_slice %arg2[%add3A_180] : memref<3000000xf32, #tpu.memory_space<hbm>> -> memref<4000xf32, #tpu.memory_space<hbm>>
          %dma_start3A_182 = tpu.memref_slice %arg2[%add3A_180] : memref<3000000xf32, #tpu.memory_space<hbm>> -> memref<4000xf32, #tpu.memory_space<hbm>>
          tpu.enqueue_dma source(%dma_start3A_182 : memref<4000xf32, #tpu.memory_space<hbm>>) target(%arg17 : memref<4000xf32, #tpu.memory_space<vmem>>) target_semaphore(%arg31 : memref<!tpu.dma_semaphore, #tpu.memory_space<semaphore_mem>>)
          %add3A_183 = arith.constant 1000000 : i32
          %add3A_184 = arith.addi %add3A_183, %mul3A_170 : i32
          %dma_start3A_185 = tpu.memref_slice %arg4[%add3A_184] : memref<3000000xf32, #tpu.memory_space<hbm>> -> memref<4000xf32, #tpu.memory_space<hbm>>
          %dma_start3A_186 = tpu.memref_slice %arg4[%add3A_184] : memref<3000000xf32, #tpu.memory_space<hbm>> -> memref<4000xf32, #tpu.memory_space<hbm>>
          tpu.enqueue_dma source(%dma_start3A_186 : memref<4000xf32, #tpu.memory_space<hbm>>) target(%arg20 : memref<4000xf32, #tpu.memory_space<vmem>>) target_semaphore(%arg31 : memref<!tpu.dma_semaphore, #tpu.memory_space<semaphore_mem>>)
          %add3A_187 = arith.constant 2000000 : i32
          %add3A_188 = arith.addi %add3A_187, %mul3A_170 : i32
          %dma_start3A_189 = tpu.memref_slice %arg2[%add3A_188] : memref<3000000xf32, #tpu.memory_space<hbm>> -> memref<4000xf32, #tpu.memory_space<hbm>>
          %dma_start3A_190 = tpu.memref_slice %arg2[%add3A_188] : memref<3000000xf32, #tpu.memory_space<hbm>> -> memref<4000xf32, #tpu.memory_space<hbm>>
          tpu.enqueue_dma source(%dma_start3A_190 : memref<4000xf32, #tpu.memory_space<hbm>>) target(%arg18 : memref<4000xf32, #tpu.memory_space<vmem>>) target_semaphore(%arg31 : memref<!tpu.dma_semaphore, #tpu.memory_space<semaphore_mem>>)
          %add3A_191 = arith.constant 2000000 : i32
          %add3A_192 = arith.addi %add3A_191, %mul3A_170 : i32
          %dma_start3A_193 = tpu.memref_slice %arg4[%add3A_192] : memref<3000000xf32, #tpu.memory_space<hbm>> -> memref<4000xf32, #tpu.memory_space<hbm>>
          %dma_start3A_194 = tpu.memref_slice %arg4[%add3A_192] : memref<3000000xf32, #tpu.memory_space<hbm>> -> memref<4000xf32, #tpu.memory_space<hbm>>
          tpu.enqueue_dma source(%dma_start3A_194 : memref<4000xf32, #tpu.memory_space<hbm>>) target(%arg21 : memref<4000xf32, #tpu.memory_space<vmem>>) target_semaphore(%arg31 : memref<!tpu.dma_semaphore, #tpu.memory_space<semaphore_mem>>)
          %dma_start3A_195 = tpu.memref_slice %arg3[%mul3A_170] : memref<1000000xi32, #tpu.memory_space<hbm>> -> memref<4000xi32, #tpu.memory_space<hbm>>
          %dma_start3A_196 = tpu.memref_slice %arg3[%mul3A_170] : memref<1000000xi32, #tpu.memory_space<hbm>> -> memref<4000xi32, #tpu.memory_space<hbm>>
          tpu.enqueue_dma source(%dma_start3A_196 : memref<4000xi32, #tpu.memory_space<hbm>>) target(%arg29 : memref<4000xi32, #tpu.memory_space<vmem>>) target_semaphore(%arg31 : memref<!tpu.dma_semaphore, #tpu.memory_space<semaphore_mem>>)
        } else {
        }
        %mul3A_106 = arith.constant 32 : i32
        %mul3A_107 = arith.muli %add3A_90, %mul3A_106 : i32
        %add3A_108 = arith.addi %mul3A_107, %add3A : i32
        %mul3A_109 = arith.constant 4000 : i32
        %mul3A_110 = arith.muli %add3A_108, %mul3A_109 : i32
        %add3A_111 = arith.constant 0 : i32
        %add3A_112 = arith.addi %add3A_111, %mul3A_110 : i32
        %dma_wait3A_113 = tpu.memref_slice %arg2[%add3A_112] : memref<3000000xf32, #tpu.memory_space<hbm>> -> memref<4000xf32, #tpu.memory_space<hbm>>
        %dma_wait3A_114 = tpu.memref_slice %arg2[%add3A_112] : memref<3000000xf32, #tpu.memory_space<hbm>> -> memref<4000xf32, #tpu.memory_space<hbm>>
        tpu.wait_dma2 semaphore(%arg30 : memref<!tpu.dma_semaphore, #tpu.memory_space<semaphore_mem>>) src(%dma_wait3A_114 : memref<4000xf32, #tpu.memory_space<hbm>>) dst(%arg10 : memref<4000xf32, #tpu.memory_space<vmem>>)
        %add3A_115 = arith.constant 0 : i32
        %add3A_116 = arith.addi %add3A_115, %mul3A_110 : i32
        %dma_wait3A_117 = tpu.memref_slice %arg4[%add3A_116] : memref<3000000xf32, #tpu.memory_space<hbm>> -> memref<4000xf32, #tpu.memory_space<hbm>>
        %dma_wait3A_118 = tpu.memref_slice %arg4[%add3A_116] : memref<3000000xf32, #tpu.memory_space<hbm>> -> memref<4000xf32, #tpu.memory_space<hbm>>
        tpu.wait_dma2 semaphore(%arg30 : memref<!tpu.dma_semaphore, #tpu.memory_space<semaphore_mem>>) src(%dma_wait3A_118 : memref<4000xf32, #tpu.memory_space<hbm>>) dst(%arg13 : memref<4000xf32, #tpu.memory_space<vmem>>)
        %add3A_119 = arith.constant 1000000 : i32
        %add3A_120 = arith.addi %add3A_119, %mul3A_110 : i32
        %dma_wait3A_121 = tpu.memref_slice %arg2[%add3A_120] : memref<3000000xf32, #tpu.memory_space<hbm>> -> memref<4000xf32, #tpu.memory_space<hbm>>
        %dma_wait3A_122 = tpu.memref_slice %arg2[%add3A_120] : memref<3000000xf32, #tpu.memory_space<hbm>> -> memref<4000xf32, #tpu.memory_space<hbm>>
        tpu.wait_dma2 semaphore(%arg30 : memref<!tpu.dma_semaphore, #tpu.memory_space<semaphore_mem>>) src(%dma_wait3A_122 : memref<4000xf32, #tpu.memory_space<hbm>>) dst(%arg11 : memref<4000xf32, #tpu.memory_space<vmem>>)
        %add3A_123 = arith.constant 1000000 : i32
        %add3A_124 = arith.addi %add3A_123, %mul3A_110 : i32
        %dma_wait3A_125 = tpu.memref_slice %arg4[%add3A_124] : memref<3000000xf32, #tpu.memory_space<hbm>> -> memref<4000xf32, #tpu.memory_space<hbm>>
        %dma_wait3A_126 = tpu.memref_slice %arg4[%add3A_124] : memref<3000000xf32, #tpu.memory_space<hbm>> -> memref<4000xf32, #tpu.memory_space<hbm>>
        tpu.wait_dma2 semaphore(%arg30 : memref<!tpu.dma_semaphore, #tpu.memory_space<semaphore_mem>>) src(%dma_wait3A_126 : memref<4000xf32, #tpu.memory_space<hbm>>) dst(%arg14 : memref<4000xf32, #tpu.memory_space<vmem>>)
        %add3A_127 = arith.constant 2000000 : i32
        %add3A_128 = arith.addi %add3A_127, %mul3A_110 : i32
        %dma_wait3A_129 = tpu.memref_slice %arg2[%add3A_128] : memref<3000000xf32, #tpu.memory_space<hbm>> -> memref<4000xf32, #tpu.memory_space<hbm>>
        %dma_wait3A_130 = tpu.memref_slice %arg2[%add3A_128] : memref<3000000xf32, #tpu.memory_space<hbm>> -> memref<4000xf32, #tpu.memory_space<hbm>>
        tpu.wait_dma2 semaphore(%arg30 : memref<!tpu.dma_semaphore, #tpu.memory_space<semaphore_mem>>) src(%dma_wait3A_130 : memref<4000xf32, #tpu.memory_space<hbm>>) dst(%arg12 : memref<4000xf32, #tpu.memory_space<vmem>>)
        %add3A_131 = arith.constant 2000000 : i32
        %add3A_132 = arith.addi %add3A_131, %mul3A_110 : i32
        %dma_wait3A_133 = tpu.memref_slice %arg4[%add3A_132] : memref<3000000xf32, #tpu.memory_space<hbm>> -> memref<4000xf32, #tpu.memory_space<hbm>>
        %dma_wait3A_134 = tpu.memref_slice %arg4[%add3A_132] : memref<3000000xf32, #tpu.memory_space<hbm>> -> memref<4000xf32, #tpu.memory_space<hbm>>
        tpu.wait_dma2 semaphore(%arg30 : memref<!tpu.dma_semaphore, #tpu.memory_space<semaphore_mem>>) src(%dma_wait3A_134 : memref<4000xf32, #tpu.memory_space<hbm>>) dst(%arg15 : memref<4000xf32, #tpu.memory_space<vmem>>)
        %dma_wait3A_135 = tpu.memref_slice %arg3[%mul3A_110] : memref<1000000xi32, #tpu.memory_space<hbm>> -> memref<4000xi32, #tpu.memory_space<hbm>>
        %dma_wait3A_136 = tpu.memref_slice %arg3[%mul3A_110] : memref<1000000xi32, #tpu.memory_space<hbm>> -> memref<4000xi32, #tpu.memory_space<hbm>>
        tpu.wait_dma2 semaphore(%arg30 : memref<!tpu.dma_semaphore, #tpu.memory_space<semaphore_mem>>) src(%dma_wait3A_136 : memref<4000xi32, #tpu.memory_space<hbm>>) dst(%arg28 : memref<4000xi32, #tpu.memory_space<vmem>>)
        %ge3A = arith.constant 2 : i32
        %ge3A_137 = arith.cmpi sge, %add3A_90, %ge3A : i32
        %convert_element_type3A_138 = arith.extui %ge3A_137 : i1 to i32
        %cond3A_139 = arith.constant 0 : i32
        %cond3A_140 = arith.cmpi ne, %convert_element_type3A_138, %cond3A_139 : i32
        scf.if %cond3A_140 {
          %sub3A_164 = arith.constant 2 : i32
          %sub3A_165 = arith.subi %add3A_90, %sub3A_164 : i32
          %mul3A_166 = arith.constant 32 : i32
          %mul3A_167 = arith.muli %sub3A_165, %mul3A_166 : i32
          %add3A_168 = arith.addi %mul3A_167, %add3A : i32
          %mul3A_169 = arith.constant 4000 : i32
          %mul3A_170 = arith.muli %add3A_168, %mul3A_169 : i32
          %add3A_171 = arith.constant 0 : i32
          %add3A_172 = arith.addi %add3A_171, %mul3A_170 : i32
          %dma_wait3A_173 = tpu.memref_slice %arg7[%add3A_172] : memref<3000000xf32, #tpu.memory_space<hbm>> -> memref<4000xf32, #tpu.memory_space<hbm>>
          %dma_wait3A_174 = tpu.memref_slice %arg7[%add3A_172] : memref<3000000xf32, #tpu.memory_space<hbm>> -> memref<4000xf32, #tpu.memory_space<hbm>>
          tpu.wait_dma2 semaphore(%arg32 : memref<!tpu.dma_semaphore, #tpu.memory_space<semaphore_mem>>) src(%arg22 : memref<4000xf32, #tpu.memory_space<vmem>>) dst(%dma_wait3A_174 : memref<4000xf32, #tpu.memory_space<hbm>>)
          %add3A_175 = arith.constant 1000000 : i32
          %add3A_176 = arith.addi %add3A_175, %mul3A_170 : i32
          %dma_wait3A_177 = tpu.memref_slice %arg7[%add3A_176] : memref<3000000xf32, #tpu.memory_space<hbm>> -> memref<4000xf32, #tpu.memory_space<hbm>>
          %dma_wait3A_178 = tpu.memref_slice %arg7[%add3A_176] : memref<3000000xf32, #tpu.memory_space<hbm>> -> memref<4000xf32, #tpu.memory_space<hbm>>
          tpu.wait_dma2 semaphore(%arg32 : memref<!tpu.dma_semaphore, #tpu.memory_space<semaphore_mem>>) src(%arg23 : memref<4000xf32, #tpu.memory_space<vmem>>) dst(%dma_wait3A_178 : memref<4000xf32, #tpu.memory_space<hbm>>)
          %add3A_179 = arith.constant 2000000 : i32
          %add3A_180 = arith.addi %add3A_179, %mul3A_170 : i32
          %dma_wait3A_181 = tpu.memref_slice %arg7[%add3A_180] : memref<3000000xf32, #tpu.memory_space<hbm>> -> memref<4000xf32, #tpu.memory_space<hbm>>
          %dma_wait3A_182 = tpu.memref_slice %arg7[%add3A_180] : memref<3000000xf32, #tpu.memory_space<hbm>> -> memref<4000xf32, #tpu.memory_space<hbm>>
          tpu.wait_dma2 semaphore(%arg32 : memref<!tpu.dma_semaphore, #tpu.memory_space<semaphore_mem>>) src(%arg24 : memref<4000xf32, #tpu.memory_space<vmem>>) dst(%dma_wait3A_182 : memref<4000xf32, #tpu.memory_space<hbm>>)
        } else {
        }
        %scan3A_141 = arith.constant 0 : i32
        %scan3A_142 = arith.constant 0 : i32
        %scan3A_143 = arith.constant 250 : i32
        %scan3A_144 = arith.addi %scan3A_142, %scan3A_143 : i32
        %scan3A_145 = arith.constant 1 : i32
        scf.for %scan3A_164 = %scan3A_142 to %scan3A_144 step %scan3A_145  : i32 {
          %mul3A_165 = arith.constant 16 : i32
          %mul3A_166 = arith.muli %scan3A_164, %mul3A_165 : i32
          %get3A = arith.index_cast %mul3A_166 : i32 to index
          %get3A_167 = tpu.vector_load %arg28[%get3A] {strides = array<i32>} : memref<4000xi32, #tpu.memory_space<vmem>>, vector<16xi32>,
          %gather3A = tpu.vector_load_idx %arg8[%get3A_167] : memref<1000xf32, #tpu.memory_space<vmem>>[vector<16xi32>], vector<16xf32>,
          %gather3A_168 = tpu.vector_load_idx %arg9[%get3A_167] : memref<1000xf32, #tpu.memory_space<vmem>>[vector<16xi32>], vector<16xf32>,
          %get3A_169 = arith.index_cast %mul3A_166 : i32 to index
          %get3A_170 = tpu.vector_load %arg10[%get3A_169] {strides = array<i32>} : memref<4000xf32, #tpu.memory_space<vmem>>, vector<16xf32>,
          %mul3A_171 = arith.mulf %gather3A, %get3A_170 : vector<16xf32>
          %get3A_172 = arith.index_cast %mul3A_166 : i32 to index
          %get3A_173 = tpu.vector_load %arg13[%get3A_172] {strides = array<i32>} : memref<4000xf32, #tpu.memory_space<vmem>>, vector<16xf32>,
          %mul3A_174 = arith.mulf %gather3A_168, %get3A_173 : vector<16xf32>
          %add3A_175 = arith.addf %mul3A_171, %mul3A_174 : vector<16xf32>
          %swap3A = arith.index_cast %mul3A_166 : i32 to index
          %swap3A_176 = tpu.vector_load %arg22[%swap3A] {strides = array<i32>} : memref<4000xf32, #tpu.memory_space<vmem>>, vector<16xf32>,
          tpu.vector_store %arg22[%swap3A], %add3A_175 {strides = array<i32>} : memref<4000xf32, #tpu.memory_space<vmem>>, vector<16xf32>,
          %get3A_177 = arith.index_cast %mul3A_166 : i32 to index
          %get3A_178 = tpu.vector_load %arg11[%get3A_177] {strides = array<i32>} : memref<4000xf32, #tpu.memory_space<vmem>>, vector<16xf32>,
          %mul3A_179 = arith.mulf %gather3A, %get3A_178 : vector<16xf32>
          %get3A_180 = arith.index_cast %mul3A_166 : i32 to index
          %get3A_181 = tpu.vector_load %arg14[%get3A_180] {strides = array<i32>} : memref<4000xf32, #tpu.memory_space<vmem>>, vector<16xf32>,
          %mul3A_182 = arith.mulf %gather3A_168, %get3A_181 : vector<16xf32>
          %add3A_183 = arith.addf %mul3A_179, %mul3A_182 : vector<16xf32>
          %swap3A_184 = arith.index_cast %mul3A_166 : i32 to index
          %swap3A_185 = tpu.vector_load %arg23[%swap3A_184] {strides = array<i32>} : memref<4000xf32, #tpu.memory_space<vmem>>, vector<16xf32>,
          tpu.vector_store %arg23[%swap3A_184], %add3A_183 {strides = array<i32>} : memref<4000xf32, #tpu.memory_space<vmem>>, vector<16xf32>,
          %get3A_186 = arith.index_cast %mul3A_166 : i32 to index
          %get3A_187 = tpu.vector_load %arg12[%get3A_186] {strides = array<i32>} : memref<4000xf32, #tpu.memory_space<vmem>>, vector<16xf32>,
          %mul3A_188 = arith.mulf %gather3A, %get3A_187 : vector<16xf32>
          %get3A_189 = arith.index_cast %mul3A_166 : i32 to index
          %get3A_190 = tpu.vector_load %arg15[%get3A_189] {strides = array<i32>} : memref<4000xf32, #tpu.memory_space<vmem>>, vector<16xf32>,
          %mul3A_191 = arith.mulf %gather3A_168, %get3A_190 : vector<16xf32>
          %add3A_192 = arith.addf %mul3A_188, %mul3A_191 : vector<16xf32>
          %swap3A_193 = arith.index_cast %mul3A_166 : i32 to index
          %swap3A_194 = tpu.vector_load %arg24[%swap3A_193] {strides = array<i32>} : memref<4000xf32, #tpu.memory_space<vmem>>, vector<16xf32>,
          tpu.vector_store %arg24[%swap3A_193], %add3A_192 {strides = array<i32>} : memref<4000xf32, #tpu.memory_space<vmem>>, vector<16xf32>,
        }
        %scan3A_146 = arith.constant 250 : i32
        %mul3A_147 = arith.constant 32 : i32
        %mul3A_148 = arith.muli %add3A_90, %mul3A_147 : i32
        %add3A_149 = arith.addi %mul3A_148, %add3A : i32
        %mul3A_150 = arith.constant 4000 : i32
        %mul3A_151 = arith.muli %add3A_149, %mul3A_150 : i32
        %add3A_152 = arith.constant 0 : i32
        %add3A_153 = arith.addi %add3A_152, %mul3A_151 : i32
        %dma_start3A_154 = tpu.memref_slice %arg7[%add3A_153] : memref<3000000xf32, #tpu.memory_space<hbm>> -> memref<4000xf32, #tpu.memory_space<hbm>>
        %dma_start3A_155 = tpu.memref_slice %arg7[%add3A_153] : memref<3000000xf32, #tpu.memory_space<hbm>> -> memref<4000xf32, #tpu.memory_space<hbm>>
        tpu.enqueue_dma source(%arg22 : memref<4000xf32, #tpu.memory_space<vmem>>) target(%dma_start3A_155 : memref<4000xf32, #tpu.memory_space<hbm>>) target_semaphore(%arg32 : memref<!tpu.dma_semaphore, #tpu.memory_space<semaphore_mem>>)
        %add3A_156 = arith.constant 1000000 : i32
        %add3A_157 = arith.addi %add3A_156, %mul3A_151 : i32
        %dma_start3A_158 = tpu.memref_slice %arg7[%add3A_157] : memref<3000000xf32, #tpu.memory_space<hbm>> -> memref<4000xf32, #tpu.memory_space<hbm>>
        %dma_start3A_159 = tpu.memref_slice %arg7[%add3A_157] : memref<3000000xf32, #tpu.memory_space<hbm>> -> memref<4000xf32, #tpu.memory_space<hbm>>
        tpu.enqueue_dma source(%arg23 : memref<4000xf32, #tpu.memory_space<vmem>>) target(%dma_start3A_159 : memref<4000xf32, #tpu.memory_space<hbm>>) target_semaphore(%arg32 : memref<!tpu.dma_semaphore, #tpu.memory_space<semaphore_mem>>)
        %add3A_160 = arith.constant 2000000 : i32
        %add3A_161 = arith.addi %add3A_160, %mul3A_151 : i32
        %dma_start3A_162 = tpu.memref_slice %arg7[%add3A_161] : memref<3000000xf32, #tpu.memory_space<hbm>> -> memref<4000xf32, #tpu.memory_space<hbm>>
        %dma_start3A_163 = tpu.memref_slice %arg7[%add3A_161] : memref<3000000xf32, #tpu.memory_space<hbm>> -> memref<4000xf32, #tpu.memory_space<hbm>>
        tpu.enqueue_dma source(%arg24 : memref<4000xf32, #tpu.memory_space<vmem>>) target(%dma_start3A_163 : memref<4000xf32, #tpu.memory_space<hbm>>) target_semaphore(%arg32 : memref<!tpu.dma_semaphore, #tpu.memory_space<semaphore_mem>>)
      } else {
      }
      %mul3A_92 = arith.constant 2 : i32
      %mul3A_93 = arith.muli %mul3A_92, %scan3A_86 : i32
      %add3A_94 = arith.constant 1 : i32
      %add3A_95 = arith.addi %mul3A_93, %add3A_94 : i32
      %lt3A_96 = arith.cmpi slt, %add3A_95, %add3A_20 : i32
      %convert_element_type3A_97 = arith.extui %lt3A_96 : i1 to i32
      %cond3A_98 = arith.constant 0 : i32
      %cond3A_99 = arith.cmpi ne, %convert_element_type3A_97, %cond3A_98 : i32
      scf.if %cond3A_99 {
        %add3A_100 = arith.constant 1 : i32
        %add3A_101 = arith.addi %add3A_95, %add3A_100 : i32
        %lt3A_102 = arith.cmpi slt, %add3A_101, %add3A_20 : i32
        %convert_element_type3A_103 = arith.extui %lt3A_102 : i1 to i32
        %cond3A_104 = arith.constant 0 : i32
        %cond3A_105 = arith.cmpi ne, %convert_element_type3A_103, %cond3A_104 : i32
        scf.if %cond3A_105 {
          %add3A_164 = arith.constant 1 : i32
          %add3A_165 = arith.addi %add3A_95, %add3A_164 : i32
          %mul3A_166 = arith.constant 32 : i32
          %mul3A_167 = arith.muli %add3A_165, %mul3A_166 : i32
          %add3A_168 = arith.addi %mul3A_167, %add3A : i32
          %mul3A_169 = arith.constant 4000 : i32
          %mul3A_170 = arith.muli %add3A_168, %mul3A_169 : i32
          %add3A_171 = arith.constant 0 : i32
          %add3A_172 = arith.addi %add3A_171, %mul3A_170 : i32
          %dma_start3A_173 = tpu.memref_slice %arg2[%add3A_172] : memref<3000000xf32, #tpu.memory_space<hbm>> -> memref<4000xf32, #tpu.memory_space<hbm>>
          %dma_start3A_174 = tpu.memref_slice %arg2[%add3A_172] : memref<3000000xf32, #tpu.memory_space<hbm>> -> memref<4000xf32, #tpu.memory_space<hbm>>
          tpu.enqueue_dma source(%dma_start3A_174 : memref<4000xf32, #tpu.memory_space<hbm>>) target(%arg10 : memref<4000xf32, #tpu.memory_space<vmem>>) target_semaphore(%arg30 : memref<!tpu.dma_semaphore, #tpu.memory_space<semaphore_mem>>)
          %add3A_175 = arith.constant 0 : i32
          %add3A_176 = arith.addi %add3A_175, %mul3A_170 : i32
          %dma_start3A_177 = tpu.memref_slice %arg4[%add3A_176] : memref<3000000xf32, #tpu.memory_space<hbm>> -> memref<4000xf32, #tpu.memory_space<hbm>>
          %dma_start3A_178 = tpu.memref_slice %arg4[%add3A_176] : memref<3000000xf32, #tpu.memory_space<hbm>> -> memref<4000xf32, #tpu.memory_space<hbm>>
          tpu.enqueue_dma source(%dma_start3A_178 : memref<4000xf32, #tpu.memory_space<hbm>>) target(%arg13 : memref<4000xf32, #tpu.memory_space<vmem>>) target_semaphore(%arg30 : memref<!tpu.dma_semaphore, #tpu.memory_space<semaphore_mem>>)
          %add3A_179 = arith.constant 1000000 : i32
          %add3A_180 = arith.addi %add3A_179, %mul3A_170 : i32
          %dma_start3A_181 = tpu.memref_slice %arg2[%add3A_180] : memref<3000000xf32, #tpu.memory_space<hbm>> -> memref<4000xf32, #tpu.memory_space<hbm>>
          %dma_start3A_182 = tpu.memref_slice %arg2[%add3A_180] : memref<3000000xf32, #tpu.memory_space<hbm>> -> memref<4000xf32, #tpu.memory_space<hbm>>
          tpu.enqueue_dma source(%dma_start3A_182 : memref<4000xf32, #tpu.memory_space<hbm>>) target(%arg11 : memref<4000xf32, #tpu.memory_space<vmem>>) target_semaphore(%arg30 : memref<!tpu.dma_semaphore, #tpu.memory_space<semaphore_mem>>)
          %add3A_183 = arith.constant 1000000 : i32
          %add3A_184 = arith.addi %add3A_183, %mul3A_170 : i32
          %dma_start3A_185 = tpu.memref_slice %arg4[%add3A_184] : memref<3000000xf32, #tpu.memory_space<hbm>> -> memref<4000xf32, #tpu.memory_space<hbm>>
          %dma_start3A_186 = tpu.memref_slice %arg4[%add3A_184] : memref<3000000xf32, #tpu.memory_space<hbm>> -> memref<4000xf32, #tpu.memory_space<hbm>>
          tpu.enqueue_dma source(%dma_start3A_186 : memref<4000xf32, #tpu.memory_space<hbm>>) target(%arg14 : memref<4000xf32, #tpu.memory_space<vmem>>) target_semaphore(%arg30 : memref<!tpu.dma_semaphore, #tpu.memory_space<semaphore_mem>>)
          %add3A_187 = arith.constant 2000000 : i32
          %add3A_188 = arith.addi %add3A_187, %mul3A_170 : i32
          %dma_start3A_189 = tpu.memref_slice %arg2[%add3A_188] : memref<3000000xf32, #tpu.memory_space<hbm>> -> memref<4000xf32, #tpu.memory_space<hbm>>
          %dma_start3A_190 = tpu.memref_slice %arg2[%add3A_188] : memref<3000000xf32, #tpu.memory_space<hbm>> -> memref<4000xf32, #tpu.memory_space<hbm>>
          tpu.enqueue_dma source(%dma_start3A_190 : memref<4000xf32, #tpu.memory_space<hbm>>) target(%arg12 : memref<4000xf32, #tpu.memory_space<vmem>>) target_semaphore(%arg30 : memref<!tpu.dma_semaphore, #tpu.memory_space<semaphore_mem>>)
          %add3A_191 = arith.constant 2000000 : i32
          %add3A_192 = arith.addi %add3A_191, %mul3A_170 : i32
          %dma_start3A_193 = tpu.memref_slice %arg4[%add3A_192] : memref<3000000xf32, #tpu.memory_space<hbm>> -> memref<4000xf32, #tpu.memory_space<hbm>>
          %dma_start3A_194 = tpu.memref_slice %arg4[%add3A_192] : memref<3000000xf32, #tpu.memory_space<hbm>> -> memref<4000xf32, #tpu.memory_space<hbm>>
          tpu.enqueue_dma source(%dma_start3A_194 : memref<4000xf32, #tpu.memory_space<hbm>>) target(%arg15 : memref<4000xf32, #tpu.memory_space<vmem>>) target_semaphore(%arg30 : memref<!tpu.dma_semaphore, #tpu.memory_space<semaphore_mem>>)
          %dma_start3A_195 = tpu.memref_slice %arg3[%mul3A_170] : memref<1000000xi32, #tpu.memory_space<hbm>> -> memref<4000xi32, #tpu.memory_space<hbm>>
          %dma_start3A_196 = tpu.memref_slice %arg3[%mul3A_170] : memref<1000000xi32, #tpu.memory_space<hbm>> -> memref<4000xi32, #tpu.memory_space<hbm>>
          tpu.enqueue_dma source(%dma_start3A_196 : memref<4000xi32, #tpu.memory_space<hbm>>) target(%arg28 : memref<4000xi32, #tpu.memory_space<vmem>>) target_semaphore(%arg30 : memref<!tpu.dma_semaphore, #tpu.memory_space<semaphore_mem>>)
        } else {
        }
        %mul3A_106 = arith.constant 32 : i32
        %mul3A_107 = arith.muli %add3A_95, %mul3A_106 : i32
        %add3A_108 = arith.addi %mul3A_107, %add3A : i32
        %mul3A_109 = arith.constant 4000 : i32
        %mul3A_110 = arith.muli %add3A_108, %mul3A_109 : i32
        %add3A_111 = arith.constant 0 : i32
        %add3A_112 = arith.addi %add3A_111, %mul3A_110 : i32
        %dma_wait3A_113 = tpu.memref_slice %arg2[%add3A_112] : memref<3000000xf32, #tpu.memory_space<hbm>> -> memref<4000xf32, #tpu.memory_space<hbm>>
        %dma_wait3A_114 = tpu.memref_slice %arg2[%add3A_112] : memref<3000000xf32, #tpu.memory_space<hbm>> -> memref<4000xf32, #tpu.memory_space<hbm>>
        tpu.wait_dma2 semaphore(%arg31 : memref<!tpu.dma_semaphore, #tpu.memory_space<semaphore_mem>>) src(%dma_wait3A_114 : memref<4000xf32, #tpu.memory_space<hbm>>) dst(%arg16 : memref<4000xf32, #tpu.memory_space<vmem>>)
        %add3A_115 = arith.constant 0 : i32
        %add3A_116 = arith.addi %add3A_115, %mul3A_110 : i32
        %dma_wait3A_117 = tpu.memref_slice %arg4[%add3A_116] : memref<3000000xf32, #tpu.memory_space<hbm>> -> memref<4000xf32, #tpu.memory_space<hbm>>
        %dma_wait3A_118 = tpu.memref_slice %arg4[%add3A_116] : memref<3000000xf32, #tpu.memory_space<hbm>> -> memref<4000xf32, #tpu.memory_space<hbm>>
        tpu.wait_dma2 semaphore(%arg31 : memref<!tpu.dma_semaphore, #tpu.memory_space<semaphore_mem>>) src(%dma_wait3A_118 : memref<4000xf32, #tpu.memory_space<hbm>>) dst(%arg19 : memref<4000xf32, #tpu.memory_space<vmem>>)
        %add3A_119 = arith.constant 1000000 : i32
        %add3A_120 = arith.addi %add3A_119, %mul3A_110 : i32
        %dma_wait3A_121 = tpu.memref_slice %arg2[%add3A_120] : memref<3000000xf32, #tpu.memory_space<hbm>> -> memref<4000xf32, #tpu.memory_space<hbm>>
        %dma_wait3A_122 = tpu.memref_slice %arg2[%add3A_120] : memref<3000000xf32, #tpu.memory_space<hbm>> -> memref<4000xf32, #tpu.memory_space<hbm>>
        tpu.wait_dma2 semaphore(%arg31 : memref<!tpu.dma_semaphore, #tpu.memory_space<semaphore_mem>>) src(%dma_wait3A_122 : memref<4000xf32, #tpu.memory_space<hbm>>) dst(%arg17 : memref<4000xf32, #tpu.memory_space<vmem>>)
        %add3A_123 = arith.constant 1000000 : i32
        %add3A_124 = arith.addi %add3A_123, %mul3A_110 : i32
        %dma_wait3A_125 = tpu.memref_slice %arg4[%add3A_124] : memref<3000000xf32, #tpu.memory_space<hbm>> -> memref<4000xf32, #tpu.memory_space<hbm>>
        %dma_wait3A_126 = tpu.memref_slice %arg4[%add3A_124] : memref<3000000xf32, #tpu.memory_space<hbm>> -> memref<4000xf32, #tpu.memory_space<hbm>>
        tpu.wait_dma2 semaphore(%arg31 : memref<!tpu.dma_semaphore, #tpu.memory_space<semaphore_mem>>) src(%dma_wait3A_126 : memref<4000xf32, #tpu.memory_space<hbm>>) dst(%arg20 : memref<4000xf32, #tpu.memory_space<vmem>>)
        %add3A_127 = arith.constant 2000000 : i32
        %add3A_128 = arith.addi %add3A_127, %mul3A_110 : i32
        %dma_wait3A_129 = tpu.memref_slice %arg2[%add3A_128] : memref<3000000xf32, #tpu.memory_space<hbm>> -> memref<4000xf32, #tpu.memory_space<hbm>>
        %dma_wait3A_130 = tpu.memref_slice %arg2[%add3A_128] : memref<3000000xf32, #tpu.memory_space<hbm>> -> memref<4000xf32, #tpu.memory_space<hbm>>
        tpu.wait_dma2 semaphore(%arg31 : memref<!tpu.dma_semaphore, #tpu.memory_space<semaphore_mem>>) src(%dma_wait3A_130 : memref<4000xf32, #tpu.memory_space<hbm>>) dst(%arg18 : memref<4000xf32, #tpu.memory_space<vmem>>)
        %add3A_131 = arith.constant 2000000 : i32
        %add3A_132 = arith.addi %add3A_131, %mul3A_110 : i32
        %dma_wait3A_133 = tpu.memref_slice %arg4[%add3A_132] : memref<3000000xf32, #tpu.memory_space<hbm>> -> memref<4000xf32, #tpu.memory_space<hbm>>
        %dma_wait3A_134 = tpu.memref_slice %arg4[%add3A_132] : memref<3000000xf32, #tpu.memory_space<hbm>> -> memref<4000xf32, #tpu.memory_space<hbm>>
        tpu.wait_dma2 semaphore(%arg31 : memref<!tpu.dma_semaphore, #tpu.memory_space<semaphore_mem>>) src(%dma_wait3A_134 : memref<4000xf32, #tpu.memory_space<hbm>>) dst(%arg21 : memref<4000xf32, #tpu.memory_space<vmem>>)
        %dma_wait3A_135 = tpu.memref_slice %arg3[%mul3A_110] : memref<1000000xi32, #tpu.memory_space<hbm>> -> memref<4000xi32, #tpu.memory_space<hbm>>
        %dma_wait3A_136 = tpu.memref_slice %arg3[%mul3A_110] : memref<1000000xi32, #tpu.memory_space<hbm>> -> memref<4000xi32, #tpu.memory_space<hbm>>
        tpu.wait_dma2 semaphore(%arg31 : memref<!tpu.dma_semaphore, #tpu.memory_space<semaphore_mem>>) src(%dma_wait3A_136 : memref<4000xi32, #tpu.memory_space<hbm>>) dst(%arg29 : memref<4000xi32, #tpu.memory_space<vmem>>)
        %ge3A = arith.constant 2 : i32
        %ge3A_137 = arith.cmpi sge, %add3A_95, %ge3A : i32
        %convert_element_type3A_138 = arith.extui %ge3A_137 : i1 to i32
        %cond3A_139 = arith.constant 0 : i32
        %cond3A_140 = arith.cmpi ne, %convert_element_type3A_138, %cond3A_139 : i32
        scf.if %cond3A_140 {
          %sub3A_164 = arith.constant 2 : i32
          %sub3A_165 = arith.subi %add3A_95, %sub3A_164 : i32
          %mul3A_166 = arith.constant 32 : i32
          %mul3A_167 = arith.muli %sub3A_165, %mul3A_166 : i32
          %add3A_168 = arith.addi %mul3A_167, %add3A : i32
          %mul3A_169 = arith.constant 4000 : i32
          %mul3A_170 = arith.muli %add3A_168, %mul3A_169 : i32
          %add3A_171 = arith.constant 0 : i32
          %add3A_172 = arith.addi %add3A_171, %mul3A_170 : i32
          %dma_wait3A_173 = tpu.memref_slice %arg7[%add3A_172] : memref<3000000xf32, #tpu.memory_space<hbm>> -> memref<4000xf32, #tpu.memory_space<hbm>>
          %dma_wait3A_174 = tpu.memref_slice %arg7[%add3A_172] : memref<3000000xf32, #tpu.memory_space<hbm>> -> memref<4000xf32, #tpu.memory_space<hbm>>
          tpu.wait_dma2 semaphore(%arg33 : memref<!tpu.dma_semaphore, #tpu.memory_space<semaphore_mem>>) src(%arg25 : memref<4000xf32, #tpu.memory_space<vmem>>) dst(%dma_wait3A_174 : memref<4000xf32, #tpu.memory_space<hbm>>)
          %add3A_175 = arith.constant 1000000 : i32
          %add3A_176 = arith.addi %add3A_175, %mul3A_170 : i32
          %dma_wait3A_177 = tpu.memref_slice %arg7[%add3A_176] : memref<3000000xf32, #tpu.memory_space<hbm>> -> memref<4000xf32, #tpu.memory_space<hbm>>
          %dma_wait3A_178 = tpu.memref_slice %arg7[%add3A_176] : memref<3000000xf32, #tpu.memory_space<hbm>> -> memref<4000xf32, #tpu.memory_space<hbm>>
          tpu.wait_dma2 semaphore(%arg33 : memref<!tpu.dma_semaphore, #tpu.memory_space<semaphore_mem>>) src(%arg26 : memref<4000xf32, #tpu.memory_space<vmem>>) dst(%dma_wait3A_178 : memref<4000xf32, #tpu.memory_space<hbm>>)
          %add3A_179 = arith.constant 2000000 : i32
          %add3A_180 = arith.addi %add3A_179, %mul3A_170 : i32
          %dma_wait3A_181 = tpu.memref_slice %arg7[%add3A_180] : memref<3000000xf32, #tpu.memory_space<hbm>> -> memref<4000xf32, #tpu.memory_space<hbm>>
          %dma_wait3A_182 = tpu.memref_slice %arg7[%add3A_180] : memref<3000000xf32, #tpu.memory_space<hbm>> -> memref<4000xf32, #tpu.memory_space<hbm>>
          tpu.wait_dma2 semaphore(%arg33 : memref<!tpu.dma_semaphore, #tpu.memory_space<semaphore_mem>>) src(%arg27 : memref<4000xf32, #tpu.memory_space<vmem>>) dst(%dma_wait3A_182 : memref<4000xf32, #tpu.memory_space<hbm>>)
        } else {
        }
        %scan3A_141 = arith.constant 0 : i32
        %scan3A_142 = arith.constant 0 : i32
        %scan3A_143 = arith.constant 250 : i32
        %scan3A_144 = arith.addi %scan3A_142, %scan3A_143 : i32
        %scan3A_145 = arith.constant 1 : i32
        scf.for %scan3A_164 = %scan3A_142 to %scan3A_144 step %scan3A_145  : i32 {
          %mul3A_165 = arith.constant 16 : i32
          %mul3A_166 = arith.muli %scan3A_164, %mul3A_165 : i32
          %get3A = arith.index_cast %mul3A_166 : i32 to index
          %get3A_167 = tpu.vector_load %arg29[%get3A] {strides = array<i32>} : memref<4000xi32, #tpu.memory_space<vmem>>, vector<16xi32>,
          %gather3A = tpu.vector_load_idx %arg8[%get3A_167] : memref<1000xf32, #tpu.memory_space<vmem>>[vector<16xi32>], vector<16xf32>,
          %gather3A_168 = tpu.vector_load_idx %arg9[%get3A_167] : memref<1000xf32, #tpu.memory_space<vmem>>[vector<16xi32>], vector<16xf32>,
          %get3A_169 = arith.index_cast %mul3A_166 : i32 to index
          %get3A_170 = tpu.vector_load %arg16[%get3A_169] {strides = array<i32>} : memref<4000xf32, #tpu.memory_space<vmem>>, vector<16xf32>,
          %mul3A_171 = arith.mulf %gather3A, %get3A_170 : vector<16xf32>
          %get3A_172 = arith.index_cast %mul3A_166 : i32 to index
          %get3A_173 = tpu.vector_load %arg19[%get3A_172] {strides = array<i32>} : memref<4000xf32, #tpu.memory_space<vmem>>, vector<16xf32>,
          %mul3A_174 = arith.mulf %gather3A_168, %get3A_173 : vector<16xf32>
          %add3A_175 = arith.addf %mul3A_171, %mul3A_174 : vector<16xf32>
          %swap3A = arith.index_cast %mul3A_166 : i32 to index
          %swap3A_176 = tpu.vector_load %arg25[%swap3A] {strides = array<i32>} : memref<4000xf32, #tpu.memory_space<vmem>>, vector<16xf32>,
          tpu.vector_store %arg25[%swap3A], %add3A_175 {strides = array<i32>} : memref<4000xf32, #tpu.memory_space<vmem>>, vector<16xf32>,
          %get3A_177 = arith.index_cast %mul3A_166 : i32 to index
          %get3A_178 = tpu.vector_load %arg17[%get3A_177] {strides = array<i32>} : memref<4000xf32, #tpu.memory_space<vmem>>, vector<16xf32>,
          %mul3A_179 = arith.mulf %gather3A, %get3A_178 : vector<16xf32>
          %get3A_180 = arith.index_cast %mul3A_166 : i32 to index
          %get3A_181 = tpu.vector_load %arg20[%get3A_180] {strides = array<i32>} : memref<4000xf32, #tpu.memory_space<vmem>>, vector<16xf32>,
          %mul3A_182 = arith.mulf %gather3A_168, %get3A_181 : vector<16xf32>
          %add3A_183 = arith.addf %mul3A_179, %mul3A_182 : vector<16xf32>
          %swap3A_184 = arith.index_cast %mul3A_166 : i32 to index
          %swap3A_185 = tpu.vector_load %arg26[%swap3A_184] {strides = array<i32>} : memref<4000xf32, #tpu.memory_space<vmem>>, vector<16xf32>,
          tpu.vector_store %arg26[%swap3A_184], %add3A_183 {strides = array<i32>} : memref<4000xf32, #tpu.memory_space<vmem>>, vector<16xf32>,
          %get3A_186 = arith.index_cast %mul3A_166 : i32 to index
          %get3A_187 = tpu.vector_load %arg18[%get3A_186] {strides = array<i32>} : memref<4000xf32, #tpu.memory_space<vmem>>, vector<16xf32>,
          %mul3A_188 = arith.mulf %gather3A, %get3A_187 : vector<16xf32>
          %get3A_189 = arith.index_cast %mul3A_166 : i32 to index
          %get3A_190 = tpu.vector_load %arg21[%get3A_189] {strides = array<i32>} : memref<4000xf32, #tpu.memory_space<vmem>>, vector<16xf32>,
          %mul3A_191 = arith.mulf %gather3A_168, %get3A_190 : vector<16xf32>
          %add3A_192 = arith.addf %mul3A_188, %mul3A_191 : vector<16xf32>
          %swap3A_193 = arith.index_cast %mul3A_166 : i32 to index
          %swap3A_194 = tpu.vector_load %arg27[%swap3A_193] {strides = array<i32>} : memref<4000xf32, #tpu.memory_space<vmem>>, vector<16xf32>,
          tpu.vector_store %arg27[%swap3A_193], %add3A_192 {strides = array<i32>} : memref<4000xf32, #tpu.memory_space<vmem>>, vector<16xf32>,
        }
        %scan3A_146 = arith.constant 250 : i32
        %mul3A_147 = arith.constant 32 : i32
        %mul3A_148 = arith.muli %add3A_95, %mul3A_147 : i32
        %add3A_149 = arith.addi %mul3A_148, %add3A : i32
        %mul3A_150 = arith.constant 4000 : i32
        %mul3A_151 = arith.muli %add3A_149, %mul3A_150 : i32
        %add3A_152 = arith.constant 0 : i32
        %add3A_153 = arith.addi %add3A_152, %mul3A_151 : i32
        %dma_start3A_154 = tpu.memref_slice %arg7[%add3A_153] : memref<3000000xf32, #tpu.memory_space<hbm>> -> memref<4000xf32, #tpu.memory_space<hbm>>
        %dma_start3A_155 = tpu.memref_slice %arg7[%add3A_153] : memref<3000000xf32, #tpu.memory_space<hbm>> -> memref<4000xf32, #tpu.memory_space<hbm>>
        tpu.enqueue_dma source(%arg25 : memref<4000xf32, #tpu.memory_space<vmem>>) target(%dma_start3A_155 : memref<4000xf32, #tpu.memory_space<hbm>>) target_semaphore(%arg33 : memref<!tpu.dma_semaphore, #tpu.memory_space<semaphore_mem>>)
        %add3A_156 = arith.constant 1000000 : i32
        %add3A_157 = arith.addi %add3A_156, %mul3A_151 : i32
        %dma_start3A_158 = tpu.memref_slice %arg7[%add3A_157] : memref<3000000xf32, #tpu.memory_space<hbm>> -> memref<4000xf32, #tpu.memory_space<hbm>>
        %dma_start3A_159 = tpu.memref_slice %arg7[%add3A_157] : memref<3000000xf32, #tpu.memory_space<hbm>> -> memref<4000xf32, #tpu.memory_space<hbm>>
        tpu.enqueue_dma source(%arg26 : memref<4000xf32, #tpu.memory_space<vmem>>) target(%dma_start3A_159 : memref<4000xf32, #tpu.memory_space<hbm>>) target_semaphore(%arg33 : memref<!tpu.dma_semaphore, #tpu.memory_space<semaphore_mem>>)
        %add3A_160 = arith.constant 2000000 : i32
        %add3A_161 = arith.addi %add3A_160, %mul3A_151 : i32
        %dma_start3A_162 = tpu.memref_slice %arg7[%add3A_161] : memref<3000000xf32, #tpu.memory_space<hbm>> -> memref<4000xf32, #tpu.memory_space<hbm>>
        %dma_start3A_163 = tpu.memref_slice %arg7[%add3A_161] : memref<3000000xf32, #tpu.memory_space<hbm>> -> memref<4000xf32, #tpu.memory_space<hbm>>
        tpu.enqueue_dma source(%arg27 : memref<4000xf32, #tpu.memory_space<vmem>>) target(%dma_start3A_163 : memref<4000xf32, #tpu.memory_space<hbm>>) target_semaphore(%arg33 : memref<!tpu.dma_semaphore, #tpu.memory_space<semaphore_mem>>)
      } else {
      }
    }
    %scan3A_54 = arith.constant 4 : i32
    %add3A_55 = arith.constant 0 : i32
    %add3A_56 = arith.addi %add3A_55, %add3A : i32
    %mul3A_57 = arith.constant 4000 : i32
    %mul3A_58 = arith.muli %add3A_56, %mul3A_57 : i32
    %add3A_59 = arith.constant 0 : i32
    %add3A_60 = arith.addi %add3A_59, %mul3A_58 : i32
    %dma_wait3A = tpu.memref_slice %arg7[%add3A_60] : memref<3000000xf32, #tpu.memory_space<hbm>> -> memref<4000xf32, #tpu.memory_space<hbm>>
    %dma_wait3A_61 = tpu.memref_slice %arg7[%add3A_60] : memref<3000000xf32, #tpu.memory_space<hbm>> -> memref<4000xf32, #tpu.memory_space<hbm>>
    tpu.wait_dma2 semaphore(%arg32 : memref<!tpu.dma_semaphore, #tpu.memory_space<semaphore_mem>>) src(%arg22 : memref<4000xf32, #tpu.memory_space<vmem>>) dst(%dma_wait3A_61 : memref<4000xf32, #tpu.memory_space<hbm>>)
    %add3A_62 = arith.constant 1000000 : i32
    %add3A_63 = arith.addi %add3A_62, %mul3A_58 : i32
    %dma_wait3A_64 = tpu.memref_slice %arg7[%add3A_63] : memref<3000000xf32, #tpu.memory_space<hbm>> -> memref<4000xf32, #tpu.memory_space<hbm>>
    %dma_wait3A_65 = tpu.memref_slice %arg7[%add3A_63] : memref<3000000xf32, #tpu.memory_space<hbm>> -> memref<4000xf32, #tpu.memory_space<hbm>>
    tpu.wait_dma2 semaphore(%arg32 : memref<!tpu.dma_semaphore, #tpu.memory_space<semaphore_mem>>) src(%arg23 : memref<4000xf32, #tpu.memory_space<vmem>>) dst(%dma_wait3A_65 : memref<4000xf32, #tpu.memory_space<hbm>>)
    %add3A_66 = arith.constant 2000000 : i32
    %add3A_67 = arith.addi %add3A_66, %mul3A_58 : i32
    %dma_wait3A_68 = tpu.memref_slice %arg7[%add3A_67] : memref<3000000xf32, #tpu.memory_space<hbm>> -> memref<4000xf32, #tpu.memory_space<hbm>>
    %dma_wait3A_69 = tpu.memref_slice %arg7[%add3A_67] : memref<3000000xf32, #tpu.memory_space<hbm>> -> memref<4000xf32, #tpu.memory_space<hbm>>
    tpu.wait_dma2 semaphore(%arg32 : memref<!tpu.dma_semaphore, #tpu.memory_space<semaphore_mem>>) src(%arg24 : memref<4000xf32, #tpu.memory_space<vmem>>) dst(%dma_wait3A_69 : memref<4000xf32, #tpu.memory_space<hbm>>)
    %add3A_70 = arith.constant 0 : i32
    %add3A_71 = arith.addi %add3A_70, %add3A : i32
    %mul3A_72 = arith.constant 4000 : i32
    %mul3A_73 = arith.muli %add3A_71, %mul3A_72 : i32
    %add3A_74 = arith.constant 0 : i32
    %add3A_75 = arith.addi %add3A_74, %mul3A_73 : i32
    %dma_wait3A_76 = tpu.memref_slice %arg7[%add3A_75] : memref<3000000xf32, #tpu.memory_space<hbm>> -> memref<4000xf32, #tpu.memory_space<hbm>>
    %dma_wait3A_77 = tpu.memref_slice %arg7[%add3A_75] : memref<3000000xf32, #tpu.memory_space<hbm>> -> memref<4000xf32, #tpu.memory_space<hbm>>
    tpu.wait_dma2 semaphore(%arg33 : memref<!tpu.dma_semaphore, #tpu.memory_space<semaphore_mem>>) src(%arg25 : memref<4000xf32, #tpu.memory_space<vmem>>) dst(%dma_wait3A_77 : memref<4000xf32, #tpu.memory_space<hbm>>)
    %add3A_78 = arith.constant 1000000 : i32
    %add3A_79 = arith.addi %add3A_78, %mul3A_73 : i32
    %dma_wait3A_80 = tpu.memref_slice %arg7[%add3A_79] : memref<3000000xf32, #tpu.memory_space<hbm>> -> memref<4000xf32, #tpu.memory_space<hbm>>
    %dma_wait3A_81 = tpu.memref_slice %arg7[%add3A_79] : memref<3000000xf32, #tpu.memory_space<hbm>> -> memref<4000xf32, #tpu.memory_space<hbm>>
    tpu.wait_dma2 semaphore(%arg33 : memref<!tpu.dma_semaphore, #tpu.memory_space<semaphore_mem>>) src(%arg26 : memref<4000xf32, #tpu.memory_space<vmem>>) dst(%dma_wait3A_81 : memref<4000xf32, #tpu.memory_space<hbm>>)
    %add3A_82 = arith.constant 2000000 : i32
    %add3A_83 = arith.addi %add3A_82, %mul3A_73 : i32
    %dma_wait3A_84 = tpu.memref_slice %arg7[%add3A_83] : memref<3000000xf32, #tpu.memory_space<hbm>> -> memref<4000xf32, #tpu.memory_space<hbm>>
    %dma_wait3A_85 = tpu.memref_slice %arg7[%add3A_83] : memref<3000000xf32, #tpu.memory_space<hbm>> -> memref<4000xf32, #tpu.memory_space<hbm>>
    tpu.wait_dma2 semaphore(%arg33 : memref<!tpu.dma_semaphore, #tpu.memory_space<semaphore_mem>>) src(%arg27 : memref<4000xf32, #tpu.memory_space<vmem>>) dst(%dma_wait3A_85 : memref<4000xf32, #tpu.memory_space<hbm>>)
    return
  }
}

</mosaic_0001>

<sc_bundles>
// kernel: kernel.3.cloned.1.call-start
scs
__scs_entry_jumppad:
0x0: {  	(pc) =	sbr.rel $0x88, $3  }
0x1: {  	(tag) =	ssettag $0x0;
	lr =	simm.s32 $0x1  }
0x2: {  	[smem:$0x3F9C] =	sst lr;
	_ =	strace $0xD0000000  }
0x3: {  	_ = 	snop  }
0x4: {  	_ = 	snop  }
0x5: {  	_ = 	snop  }
0x6: {  	_ = 	snop  }
0x7: {  	_ = 	snop  }
__scs_overlays_trampoline_lowered:
0x8: {  	[smem:$0x3FAB] =	sst s0  }
0x9: {  	[smem:$0x3FAC] =	sst s1  }
0xa: {  	[smem:$0x3FAD] =	sst s2  }
0xb: {  	[smem:$0x3FAE] =	sst s3  }
0xc: {  	[smem:$0x3FAF] =	sst s4  }
0xd: {  	[smem:$0x3FB0] =	sst s5  }
0xe: {  	[smem:$0x3FB1] =	sst s6  }
0xf: {  	[smem:$0x3FB2] =	sst s7  }
0x10: {  	[smem:$0x3FB3] =	sst s8  }
0x11: {  	[smem:$0x3FB4] =	sst s9;
	s0 =	simm.s32 @!p0 $0x0  }
0x12: {  	s1 =	sld [smem:$0x3F9A];
	s0 =	simm.s32 @p0 $0x1  }
0x13: {  	[smem:$0x3FB5] =	sst s0;
	s0 =	simm.s32 @!p1 $0x0  }
0x14: {  	s2 =	sld [smem:$0x3F99];
	s0 =	simm.s32 @p1 $0x1  }
0x15: {  	[smem:$0x3FB6] =	sst s0;
	s0 =	simm.s32 @!p2 $0x0  }
0x16: {  	s3 =	sld [smem:$0x3FDB];
	s0 =	simm.s32 @p2 $0x1  }
0x17: {  	s4 =	simm.s32 $0x1BF5;
	[smem:$0x3FB8] =	sst s0  }
0x18: {  	s0 =	sld [smem:$0x3F9B];
	_ =	swait.ge [sflag:s4], $0x0  }
0x19: {  	s7 =	sld [smem:$0x3F9C]  }
0x1a: {  	s8 =	sadd.s32 $0xFFFFE003, lr  }
0x1b: {  	s9 =	sadd.s32 $0xFFFFFEF7, lr;
	s5 =	simm.s32 $0xFFFFFFFF;
	p2 =	slt.u32 s8, $0xFFFFF086  }
0x1c: {  	p1 =	slt.u32 s9, $0xF7A;
	s5 =	simm.s32 @!p2 $0x0  }
0x1d: {  	s5 =	simm.s32 @p1 $0x1;
	p0 =	seq.s32 s7, s2  }
0x1e: {  	s7 =	smul.u32 @!p0 $0xF7A, s2;
	p2 =	seq.s32 @!p0 s5, $0x0  }
0x1f: {  	s9 =	smul.u32 $0xF7A, s1;
	s8 =	simm.s32 @!p0 $0x1BF5;
	p2 =	por !p2, p0  }
0x20: {  	[sflag:s8] =	ssyncset.s32 @!p0 $0xFFFFF086;
	s6 =	sadd.s32 @!p0 s3, s7;
	s7 =	simm.s32 @!p0 $0x108  }
0x21: {  	s3 =	sadd.s32 s3, s9;
	s6 =	sadd.s32 @!p0 $0x88, s6;
	s7 =	simm.s32 @p2 $0x1082  }
0x22: {  	[simem:s7], [sflag:s8] =	dma.local @!p0 [hbm:s6], $0xF7A  }
0x23: {  	s9 =	sor.u32 $0xD0000000, s2;
	s6 =	simm.s32 $0x108;
	_ =	swait.ge @!p0 [sflag:s8], $0x0  }
0x24: {  	s3 =	sadd.s32 $0x88, s3;
	s6 =	simm.s32 @!p1 $0x1082;
	[sflag:s4] =	ssyncset.s32 $0xFFFFF086  }
0x25: {  	[simem:s6], [sflag:s4] =	dma.local [hbm:s3], $0xF7A  }
0x26: {  	[smem:$0x3F9C] =	sst s1;
	(tag) =	ssettag s2;
	_ =	strace s9  }
0x27: {  	s1 =	sld [smem:$0x3FAC]  }
0x28: {  	s2 =	sld [smem:$0x3FAD]  }
0x29: {  	s4 =	sld [smem:$0x3FAF]  }
0x2a: {  	p0 =	seq.s32 s5, $0x0;
	s5 =	sld [smem:$0x3FB0]  }
0x2b: {  	s6 =	sld [smem:$0x3FB1]  }
0x2c: {  	s7 =	sld [smem:$0x3FB2]  }
0x2d: {  	s3 =	simm.s32 $0x108;
	s8 =	sld [smem:$0x3FB3]  }
0x2e: {  	s3 =	simm.s32 @!p0 $0x1082;
	s9 =	sld [smem:$0x3FB4]  }
0x2f: {  	lr =	sadd.s32 s0, s3;
	s0 =	sld [smem:$0x3FAB]  }
0x30: {  	s3 =	sld [smem:$0x3FAE]  }
0x31: {  	[smem:$0x3FB7] =	sst s10  }
0x32: {  	s10 =	sld [smem:$0x3FB5];
	_ =	sdelay $0x3  }
0x33: {  	p0 =	seq.s32 s10, $0x1;
	s10 =	sld [smem:$0x3FB7];
	_ =	sdelay $0x3  }
0x34: {  	[smem:$0x3FB7] =	sst s10  }
0x35: {  	s10 =	sld [smem:$0x3FB6];
	_ =	sdelay $0x3  }
0x36: {  	p1 =	seq.s32 s10, $0x1;
	s10 =	sld [smem:$0x3FB7];
	_ =	sdelay $0x3  }
0x37: {  	[smem:$0x3FB7] =	sst s10  }
0x38: {  	s10 =	sld [smem:$0x3FB8]  }
0x39: {  	_ = 	snop;
	(pc) =	sbr.ind lr, $3  }
0x3a: {  	_ = 	snop  }
0x3b: {  	_ = 	snop  }
0x3c: {  	p2 =	seq.s32 s10, $0x1;
	s10 =	sld [smem:$0x3FB7]  }
0x3d: {  	_ =	shalt  }
0x3e: {  	_ =	shalt  }
0x3f: {  	_ =	shalt  }
0x40: {  	_ =	shalt  }
0x41: {  	_ =	shalt  }
0x42: {  	_ =	shalt  }
0x43: {  	_ =	shalt  }
0x44: {  	_ =	shalt  }
0x45: {  	_ =	shalt  }
0x46: {  	_ =	shalt  }
0x47: {  	_ =	shalt  }
0x48: {  	_ =	shalt  }
0x49: {  	_ =	shalt  }
0x4a: {  	_ =	shalt  }
0x4b: {  	_ =	shalt  }
0x4c: {  	_ =	shalt  }
0x4d: {  	_ =	shalt  }
0x4e: {  	_ =	shalt  }
0x4f: {  	_ =	shalt  }
0x50: {  	_ =	shalt  }
0x51: {  	_ =	shalt  }
0x52: {  	_ =	shalt  }
0x53: {  	_ =	shalt  }
0x54: {  	_ =	shalt  }
0x55: {  	_ =	shalt  }
0x56: {  	_ =	shalt  }
0x57: {  	_ =	shalt  }
0x58: {  	_ =	shalt  }
0x59: {  	_ =	shalt  }
0x5a: {  	_ =	shalt  }
0x5b: {  	_ =	shalt  }
0x5c: {  	_ =	shalt  }
0x5d: {  	_ =	shalt  }
0x5e: {  	_ =	shalt  }
0x5f: {  	_ =	shalt  }
0x60: {  	_ =	shalt  }
0x61: {  	_ =	shalt  }
0x62: {  	_ =	shalt  }
0x63: {  	_ =	shalt  }
0x64: {  	_ =	shalt  }
0x65: {  	_ =	shalt  }
0x66: {  	_ =	shalt  }
0x67: {  	_ =	shalt  }
0x68: {  	_ =	shalt  }
0x69: {  	_ =	shalt  }
0x6a: {  	_ =	shalt  }
0x6b: {  	_ =	shalt  }
0x6c: {  	_ =	shalt  }
0x6d: {  	_ =	shalt  }
0x6e: {  	_ =	shalt  }
0x6f: {  	_ =	shalt  }
0x70: {  	_ =	shalt  }
0x71: {  	_ =	shalt  }
0x72: {  	_ =	shalt  }
0x73: {  	_ =	shalt  }
0x74: {  	_ =	shalt  }
0x75: {  	_ =	shalt  }
0x76: {  	_ =	shalt  }
0x77: {  	_ =	shalt  }
0x78: {  	_ =	shalt  }
0x79: {  	_ =	shalt  }
0x7a: {  	_ =	shalt  }
0x7b: {  	_ =	shalt  }
0x7c: {  	_ =	shalt  }
0x7d: {  	_ =	shalt  }
0x7e: {  	_ =	shalt  }
0x7f: {  	_ =	shalt  }
0x80: {  	_ =	shalt  }
0x81: {  	_ =	shalt  }
0x82: {  	_ =	shalt  }
0x83: {  	_ =	shalt  }
0x84: {  	_ =	shalt  }
0x85: {  	_ =	shalt  }
0x86: {  	_ =	shalt  }
0x87: {  	_ =	shalt  }
.Lfunc_end0:
.L_simem_size_0:
called_computation_lowered:
.L_overlay_start_0:
0x88: {  	s2 =	sld [smem:$0x3FD9]  }
0x89: {  	s3 =	sld [smem:$0x3FFE];
	_ =	sdelay $0x1  }
0x8a: {  	s1 =	srdreg.scid  }
0x8b: {  	s0 =	sand.u32 $0x1, s1  }
0x8c: {  	s14 =	sshll.u32 s0, $0xA;
	s2 =	sadd.s32 s3, s2  }
0x8d: {  	s2 =	sadd.s32 s2, s14  }
0x8e: {  	[smem:$0x3FC3] =	sst s2  }
0x8f: {  	_ = 	snop  }
0x90: {  	s2 =	sld [smem:$0x3FD0]  }
0x91: {  	s15 =	sld [smem:$0x3FC8]  }
0x92: {  	s4 =	sld [smem:$0x3FC6]  }
0x93: {  	s6 =	simm.s32 $0xA;
	s7 =	simm.s32 $0x10;
	s5 =	sld [smem:$0x3FC5]  }
0x94: {  	[smem:s7], [sflag:s6] =	dma.local [hbm:s2], $0x1  }
0x95: {  	_ =	swait.eq [sflag:s6], $0x1  }
0x96: {  	[sflag:s6] =	ssyncset.done $0x0  }
0x97: {  	s16 =	sld [smem:$0x10];
	[sflag:s6] =	ssyncadd.s32 $0xFFFFFFFF  }
0x98: {  	s17 =	sld [smem:$0x11];
	(tm) =	ssettm $0x1  }
0x99: {  	s18 =	sld [smem:$0x3FFB];
	_ =	sdelay $0x3  }
0x9a: {  	_ =	strace s18  }
0x9b: {  	s7 =	sld [smem:$0x3FFC];
	_ =	sdelay $0x3  }
0x9c: {  	_ =	strace s7  }
0x9d: {  	s7 =	sld [smem:$0x3FFD];
	_ =	sdelay $0x3  }
0x9e: {  	_ =	strace s7  }
0x9f: {  	_ =	strace $0x8FFFFFFF  }
0xa0: {  	s19 =	sld [smem:$0x3FDB];
	_ =	sdelay $0x1  }
0xa1: {  	s8 =	simm.s32 $_scs_section_size  }
0xa2: {  	s9 =	simm.s32 $_size__tile_overlayer_lowered;
	s10 =	simm.s32 $_tile_overlayer_lowered  }
0xa3: {  	s22 =	simm.s32 $0x1BFF;
	s21 =	sshll.u32 s10, $0x1;
	s7 =	sadd.s32 s8, s19  }
0xa4: {  	s11 =	simm.s32 $0x0;
	s20 =	sshll.u32 s9, $0x1;
	s9 =	sadd.s32 s21, s7  }
0xa5: {  	[timem:s11], [sflag:s22] =	dma.local [hbm:s9], s20  }
0xa6: {  	_ =	swait.ge [sflag:s22], s20  }
0xa7: {  	s8 =	ssub.s32 $0x0, s20;
	[sflag:s22] =	ssyncset.done $0x0  }
0xa8: {  	[sflag:s22] =	ssyncadd.s32 s8;
	_ =	sdelay $0x1  }
0xa9: {  	s23 =	simm.s32 $0x1B8B  }
0xaa: {  	_ =	swait.ge [sflag:s23], $0x1  }
0xab: {  	[sflag:s23] =	ssyncset.done $0x0  }
0xac: {  	s25 =	simm.s32 $0x1B8E;
	s24 =	sld [smem:$0x3FFE];
	[sflag:s23] =	ssyncadd.s32 $0xFFFFFFFF  }
0xad: {  	s26 =	simm.s32 $execute0_lowered;
	[smem:$0x3FD2] =	sst s25  }
0xae: {  	s9 =	sshll.u32 s26, $0x1;
	_ =	strace $0x80000046;
	[dreg:$0x1] =	wrdreg $0xFFFFFFFF  }
0xaf: {  	s28 =	simm.s32 $_size_execute0_lowered;
	s7 =	sadd.s32 s7, s9;
	[dreg:$0x0] =	wrdreg $0x0  }
0xb0: {  	s9 =	sshll.u32 s28, $0x1;
	[dreg:$0x2] =	wrdreg s7  }
0xb1: {  	[dreg:$0x3] =	wrdreg s9  }
0xb2: {  	[dreg:$0x4] =	wrdreg $0xC0  }
0xb3: {  	_ =	task [dreg:s11], $0x5FFFF  }
0xb4: {  	[dreg:$0x1] =	wrdreg $0xFFFFFFFF  }
0xb5: {  	[dreg:$0x0] =	wrdreg $0x60  }
0xb6: {  	[dreg:$0x2] =	wrdreg s17  }
0xb7: {  	[dreg:$0x3] =	wrdreg s15  }
0xb8: {  	[dreg:$0x4] =	wrdreg s16  }
0xb9: {  	[dreg:$0x5] =	wrdreg s4  }
0xba: {  	[dreg:$0x6] =	wrdreg s5  }
0xbb: {  	[dreg:$0x7] =	wrdreg s24  }
0xbc: {  	[dreg:$0x8] =	wrdreg $0x9  }
0xbd: {  	_ =	task.clear_ibuf [dreg:s11], $0x9FFFF;
	_ =	strace $0x90000046  }
0xbe: {  	s29 =	simm.s32 $0x9;
	_ =	strace $0x80000048  }
0xbf: {  	_ =	swait.ge [sflag:s29], $0x1  }
0xc0: {  	[sflag:s29] =	ssyncadd.s32 $0xFFFFFFFF  }
0xc1: {  	_ =	strace $0x90000048  }
0xc2: {  	_ =	sfence  }
0xc3: {  	s30 =	sld [smem:$0x0];
	_ =	sdelay $0x2  }
0xc4: {  	s31 =	sshll.u32 s1, $0xD;
	s1 =	sshrl.u32 s1, $0x2  }
0xc5: {  	s3 =	sand.u32 $0x4000, s31;
	s1 =	sadd.s32 s1, s30  }
0xc6: {  	s0 =	sor.u32 s3, s0;
	s1 =	sshll.u32 s1, $0x11  }
0xc7: {  	s0 =	sor.u32 s1, s0  }
0xc8: {  	s0 =	sadd.s32 $0x8F2B, s0  }
0xc9: {  	[sflag:s0] =	ssyncadd.remote.s32 $0x1  }
0xca: {  	_ =	sfence.sel $0xFFFF  }
0xcb: {  	[dreg:$0x0] =	wrdreg $0xFFFFFFFF;
	(pc) =	sbr.abs _section_cstart, $3  }
0xcc: {  	[dreg:$0x1] =	wrdreg $0xFFFFFFFF  }
0xcd: {  	_ =	task.clear_ibuf [dreg:s11], $0x2FFFF;
	_ =	strace $0x9FFFFFFF  }
0xce: {  	(tm) =	ssettm $0x7FFFFFFF  }
0xcf: {  	_ =	shalt  }
tec
execute0_lowered:
.L_overlay_start_1:
0x0: {  	(tag) =	ssettag $0x1  }
0x1: {  	s1 =	rddreg [dreg:$0x0]  }
0x2: {  	s2 =	rddreg [dreg:$0x1]  }
0x3: {  	s3 =	rddreg [dreg:$0x2]  }
0x4: {  	s0 =	rddreg [dreg:$0x5];
	s4 =	srdreg.scid  }
0x5: {  	s5 =	stileid.u32;
	s7 =	simm.s32 $0x0;
	s19 =	simm.s32 $0x5  }
0x6: {  	s20 =	simm.s32 $0x3E8;
	s29 =	simm.s32 $0x1;
	s30 =	simm.s32 $0xC350  }
0x7: {  	s31 =	simm.s32 $0xD2F0;
	s4 =	sand.u32 $0x1, s4;
	s5 =	sshll.u32 s5, $0x1  }
0x8: {  	[smem:$0x7FF] =	sst s7;
	s8 =	sor.u32 s4, s5;
	s4 =	ssub.s32 $0x2, s4  }
0x9: {  	s9 =	sadd.s32 $0x600, s0;
	_ =	strace $0x80000047;
	s21 =	sshrl.u32 s4, $0x1  }
0xa: {  	s5 =	smul.u32 $0xFA0, s8;
	s6 =	ssub.s32 $0xF9, s8;
	s0 =	ssub.s32 s4, s21  }
0xb: {  	s10 =	sshrl.u32 s6, $0x5;
	s4 =	simm.s32 $0xF230;
	s6 =	simm.s32 $0x101D0  }
0xc: {  	s21 =	simm.s32 $0x11170;
	s22 =	sshrl.u32 s5, $0x3;
	s18 =	smax.u32 s0, $0x1  }
0xd: {  	s0 =	simm.s32 $0xE290;
	s5 =	sadd.s32 s1, s22;
	s23 =	sadd.s32 s3, s22  }
0xe: {  	s24 =	sadd.s32 $0x1E848, s22;
	s26 =	sadd.s32 $0x3D090, s22;
	[dreg:$0x7] =	wrdreg s5  }
.Ltmp0:
0xf: {  	[dreg:$0x8] =	wrdreg s23;
	s25 =	sadd.s32 s1, s24;
	(pc) =	sbr.rel .LBB2_1-.Ltmp0, $4  }
0x10: {  	s17 =	sadd.s32 s2, s22;
	s5 =	sadd.s32 s3, s24;
	[dreg:$0x9] =	wrdreg s25  }
0x11: {  	s22 =	simm.s32 $0x3;
	s28 =	sadd.s32 s1, s26;
	[dreg:$0xa] =	wrdreg s5  }
0x12: {  	s23 =	simm.s32 $0x4;
	[dreg:$0xb] =	wrdreg s28;
	s5 =	sadd.s32 s3, s26  }
0x13: {  	s24 =	simm.s32 $0x0;
	[dreg:$0xc] =	wrdreg s5;
	s5 =	simm.s32 $0x2  }
.LBB2_9:
0x14: {  	_ =	swait.ge [sflag:s22], $0xFA0  }
0x15: {  	[sflag:s22] =	ssyncset.done $0x0  }
0x16: {  	[sflag:s22] =	ssyncadd.s32 $0xFFFFF060  }
0x17: {  	_ =	swait.ge [sflag:s22], $0xFA0  }
0x18: {  	[sflag:s22] =	ssyncset.done $0x0  }
0x19: {  	[sflag:s22] =	ssyncadd.s32 $0xFFFFF060  }
0x1a: {  	_ =	swait.ge [sflag:s22], $0xFA0  }
0x1b: {  	[sflag:s22] =	ssyncset.done $0x0  }
0x1c: {  	[sflag:s22] =	ssyncadd.s32 $0xFFFFF060  }
0x1d: {  	_ =	swait.ge [sflag:s23], $0xFA0  }
0x1e: {  	[sflag:s23] =	ssyncset.done $0x0  }
0x1f: {  	s24 =	sadd.s32 $0x1, s24;
	[sflag:s23] =	ssyncadd.s32 $0xFFFFF060  }
0x20: {  	p0 =	sne.s32 s24, s18;
	_ =	swait.ge [sflag:s23], $0xFA0  }
.Ltmp1:
0x21: {  	[sflag:s23] =	ssyncset.done $0x0;
	(pc) =	sbr.rel @!p0 .LBB2_10-.Ltmp1, $4  }
0x22: {  	[sflag:s23] =	ssyncadd.s32 $0xFFFFF060  }
0x23: {  	_ =	swait.ge [sflag:s23], $0xFA0  }
0x24: {  	[sflag:s23] =	ssyncset.done $0x0  }
0x25: {  	[sflag:s23] =	ssyncadd.s32 $0xFFFFF060  }
.LBB2_1:
0x26: {  	s11 =	rddreg [dreg:$0x3]  }
0x27: {  	[tilespmem:s7], [sflag:$0x5] =	stream.linear.gather [hbm4b:s11+s7], $0x3E8, $0x38;
	[tilespmem:$0x14050] =	vst v63  }
0x28: {  	_ =	swait.ge [sflag:s19], $0x3E8  }
0x29: {  	[sflag:s19] =	ssyncset.done $0x0  }
0x2a: {  	[sflag:s19] =	ssyncadd.s32 $0xFFFFFC18  }
0x2b: {  	s14 =	rddreg [dreg:$0x4]  }
0x2c: {  	[tilespmem:s20], [sflag:$0x5] =	stream.linear.gather [hbm4b:s14+s7], $0x3E8, $0x38;
	[tilespmem:$0x14050] =	vst v63  }
0x2d: {  	_ =	swait.ge [sflag:s19], $0x3E8  }
0x2e: {  	[sflag:s19] =	ssyncset.done $0x0  }
0x2f: {  	s12 =	simm.s32 $0x7D0;
	s15 =	rddreg [dreg:$0x7];
	[sflag:s19] =	ssyncadd.s32 $0xFFFFFC18  }
0x30: {  	[tilespmem:s12], [sflag:$0x1] =	stream.linear.gather [hbm4b:s15+s7], $0xFA0, $0x38;
	[tilespmem:$0x14050] =	vst v63  }
0x31: {  	s25 =	simm.s32 $0x36B0;
	s16 =	rddreg [dreg:$0x8]  }
0x32: {  	[tilespmem:s25], [sflag:$0x1] =	stream.linear.gather [hbm4b:s16+s7], $0xFA0, $0x38;
	[tilespmem:$0x14050] =	vst v63  }
0x33: {  	s28 =	simm.s32 $0x1770;
	s26 =	rddreg [dreg:$0x9]  }
0x34: {  	[tilespmem:s28], [sflag:$0x1] =	stream.linear.gather [hbm4b:s26+s7], $0xFA0, $0x38;
	[tilespmem:$0x14050] =	vst v63  }
0x35: {  	s14 =	simm.s32 $0x4650;
	s13 =	rddreg [dreg:$0xa]  }
0x36: {  	[tilespmem:s14], [sflag:$0x1] =	stream.linear.gather [hbm4b:s13+s7], $0xFA0, $0x38;
	[tilespmem:$0x14050] =	vst v63  }
0x37: {  	s15 =	rddreg [dreg:$0xb];
	s16 =	simm.s32 $0x2710  }
0x38: {  	[tilespmem:s16], [sflag:$0x1] =	stream.linear.gather [hbm4b:s15+s7], $0xFA0, $0x38;
	[tilespmem:$0x14050] =	vst v63  }
.Ltmp2:
0x39: {  	_ = 	snop;
	(pc) =	sbr.rel .LBB2_2-.Ltmp2, $4  }
0x3a: {  	s25 =	rddreg [dreg:$0xc];
	s26 =	simm.s32 $0x55F0  }
0x3b: {  	[tilespmem:s26], [sflag:$0x1] =	stream.linear.gather [hbm4b:s25+s7], $0xFA0, $0x38;
	[tilespmem:$0x14050] =	vst v63  }
0x3c: {  	s28 =	simm.s32 $0x12110;
	s25 =	simm.s32 $0x0  }
0x3d: {  	[tilespmem:s28], [sflag:$0x1] =	stream.linear.gather [hbm4b:s17+s7], $0xFA0, $0x38;
	[tilespmem:$0x14050] =	vst v63  }
.LBB2_8:
0x3e: {  	s25 =	sadd.s32 $0x1, s25  }
0x3f: {  	p0 =	sne.s32 s25, $0x4  }
.Ltmp3:
0x40: {  	_ = 	snop;
	(pc) =	sbr.rel @!p0 .LBB2_9-.Ltmp3, $1  }
0x41: {  	_ =	sdelay $0x3  }
.LBB2_2:
0x42: {  	s11 =	sshll.u32 s25, $0x6  }
0x43: {  	s11 =	sor.u32 s8, s11  }
0x44: {  	s28 =	sshll.u32 s25, $0x1;
	s26 =	smul.u32 $0xFA0, s11  }
0x45: {  	p1 =	sge.u32 s28, s10  }
0x46: {  	s11 =	sshrl.u32 @!p1 s26, $0x3  }
0x47: {  	s12 =	sadd.s32 @!p1 $0x3E80, s11  }
0x48: {  	s14 =	simm.s32 @!p1 $0x0;
	s15 =	simm.s32 @!p1 $0x6590;
	s13 =	sadd.s32 @!p1 s1, s12  }
0x49: {  	[tilespmem:s15], [sflag:$0x2] =	stream.linear.gather @!p1 [hbm4b:s13+s14], $0xFA0, $0x38;
	[tilespmem:$0x14050] =	vst v63  }
0x4a: {  	s13 =	sadd.s32 @!p1 s3, s12;
	s15 =	simm.s32 @!p1 $0x9470  }
0x4b: {  	[tilespmem:s15], [sflag:$0x2] =	stream.linear.gather @!p1 [hbm4b:s13+s14], $0xFA0, $0x38;
	[tilespmem:$0x14050] =	vst v63  }
0x4c: {  	s13 =	sadd.s32 @!p1 $0x226C8, s11  }
0x4d: {  	s16 =	simm.s32 @!p1 $0x7530;
	s15 =	sadd.s32 @!p1 s1, s13  }
0x4e: {  	[tilespmem:s16], [sflag:$0x2] =	stream.linear.gather @!p1 [hbm4b:s15+s14], $0xFA0, $0x38;
	[tilespmem:$0x14050] =	vst v63  }
0x4f: {  	s11 =	sadd.s32 @!p1 $0x40F10, s11;
	s13 =	sadd.s32 @!p1 s3, s13;
	s15 =	simm.s32 @!p1 $0xA410  }
0x50: {  	[tilespmem:s15], [sflag:$0x2] =	stream.linear.gather @!p1 [hbm4b:s13+s14], $0xFA0, $0x38;
	[tilespmem:$0x14050] =	vst v63  }
0x51: {  	s13 =	sadd.s32 @!p1 s1, s11;
	s15 =	simm.s32 @!p1 $0x84D0  }
0x52: {  	[tilespmem:s15], [sflag:$0x2] =	stream.linear.gather @!p1 [hbm4b:s13+s14], $0xFA0, $0x38;
	[tilespmem:$0x14050] =	vst v63  }
0x53: {  	s11 =	sadd.s32 @!p1 s3, s11;
	s13 =	simm.s32 @!p1 $0xB3B0  }
0x54: {  	[tilespmem:s13], [sflag:$0x2] =	stream.linear.gather @!p1 [hbm4b:s11+s14], $0xFA0, $0x38;
	[tilespmem:$0x14050] =	vst v63  }
0x55: {  	s11 =	sadd.s32 @!p1 s2, s12;
	s12 =	simm.s32 @!p1 $0x130B0  }
0x56: {  	[tilespmem:s12], [sflag:$0x2] =	stream.linear.gather @!p1 [hbm4b:s11+s14], $0xFA0, $0x38;
	[tilespmem:$0x14050] =	vst v63  }
0x57: {  	_ =	swait.ge [sflag:s29], $0xFA0  }
0x58: {  	[sflag:s29] =	ssyncset.done $0x0  }
0x59: {  	[sflag:s29] =	ssyncadd.s32 $0xFFFFF060  }
0x5a: {  	_ =	swait.ge [sflag:s29], $0xFA0  }
0x5b: {  	[sflag:s29] =	ssyncset.done $0x0  }
0x5c: {  	[sflag:s29] =	ssyncadd.s32 $0xFFFFF060  }
0x5d: {  	_ =	swait.ge [sflag:s29], $0xFA0  }
0x5e: {  	[sflag:s29] =	ssyncset.done $0x0  }
0x5f: {  	[sflag:s29] =	ssyncadd.s32 $0xFFFFF060  }
0x60: {  	_ =	swait.ge [sflag:s29], $0xFA0  }
0x61: {  	[sflag:s29] =	ssyncset.done $0x0  }
0x62: {  	[sflag:s29] =	ssyncadd.s32 $0xFFFFF060  }
0x63: {  	_ =	swait.ge [sflag:s29], $0xFA0  }
0x64: {  	[sflag:s29] =	ssyncset.done $0x0  }
0x65: {  	[sflag:s29] =	ssyncadd.s32 $0xFFFFF060  }
0x66: {  	_ =	swait.ge [sflag:s29], $0xFA0  }
0x67: {  	[sflag:s29] =	ssyncset.done $0x0  }
0x68: {  	[sflag:s29] =	ssyncadd.s32 $0xFFFFF060  }
0x69: {  	_ =	swait.ge [sflag:s29], $0xFA0  }
0x6a: {  	p0 =	seq.s32 s25, $0x0;
	[sflag:s29] =	ssyncset.done $0x0  }
0x6b: {  	s11 =	simm.s32 @!p0 $0x3;
	[sflag:s29] =	ssyncadd.s32 $0xFFFFF060  }
0x6c: {  	_ =	swait.ge @!p0 [sflag:s11], $0xFA0  }
0x6d: {  	[sflag:s11] =	ssyncset.done @!p0 $0x0  }
0x6e: {  	[sflag:s11] =	ssyncadd.s32 @!p0 $0xFFFFF060  }
0x6f: {  	_ =	swait.ge @!p0 [sflag:s11], $0xFA0  }
0x70: {  	[sflag:s11] =	ssyncset.done @!p0 $0x0  }
0x71: {  	[sflag:s11] =	ssyncadd.s32 @!p0 $0xFFFFF060  }
0x72: {  	_ =	swait.ge @!p0 [sflag:s11], $0xFA0  }
0x73: {  	[sflag:s11] =	ssyncset.done @!p0 $0x0  }
0x74: {  	s13 =	simm.s32 $0x0;
	[sflag:s11] =	ssyncadd.s32 @!p0 $0xFFFFF060  }
0x75: {  	v1 =	vld [tilespmem:s13+$0x12110];
	_ =	sdelay $0x2  }
0x76: {  	v6 =	vld [tilespmem:s13+$0x7D0]  }
0x77: {  	v0 =	vld [tilespmem:s13+$0x36B0]  }
0x78: {  	v8 =	vld [tilespmem:s13+$0x1770]  }
0x79: {  	v3 =	vld [tilespmem:s13+$0x2710]  }
0x7a: {  	v7 =	vld [tilespmem:s13+$0x55F0]  }
0x7b: {  	v4 =	vld.idx.msk [tilespmem:v1+s7+$0x0], $0xffff  }
0x7c: {  	v2 =	vld.idx.msk [tilespmem:v1+s20+$0x0], $0xffff  }
0x7d: {  	v5 =	vld [tilespmem:s13+$0x4650];
	_ =	sdelay $0x1  }
0x7e: {  	s14 =	simm.s32 $0x10  }
0x7f: {  	s15 =	simm.s32 $0x80;
	s12 =	sadd.s32 $0xF4240, s26;
	s11 =	sadd.s32 $0x1E8480, s26;
	v1 =	vld [tilespmem:s14+$0x12110];
	v6 =	vmul.f32 v6, v4;
	v8 =	vmul.f32 v8, v4  }
.LBB2_3:
0x80: {  	p2 =	sne.s32 s15, $0x3E40;
	v3 =	vmul.f32 v3, v4;
	v4 =	vmul.f32 v7, v2  }
0x81: {  	v0 =	vmul.f32 v0, v2;
	v2 =	vmul.f32 v5, v2  }
0x82: {  	v3 =	vadd.f32 v4, v3  }
0x83: {  	v4 =	vadd.f32 v0, v6;
	v9 =	vld [tilespmem:s14+$0x7D0];
	v2 =	vadd.f32 v2, v8  }
0x84: {  	v0 =	vld [tilespmem:s14+$0x36B0];
	[tilespmem:s13+$0xE290] =	vst v3  }
0x85: {  	v8 =	vld [tilespmem:s14+$0x1770];
	[tilespmem:s13+$0xD2F0] =	vst v2  }
0x86: {  	v3 =	vld [tilespmem:s14+$0x2710];
	[tilespmem:s13+$0xC350] =	vst v4;
	s13 =	smov.u32 s14  }
0x87: {  	v4 =	vld.idx.msk [tilespmem:v1+s7+$0x0], $0xffff  }
0x88: {  	v2 =	vld.idx.msk [tilespmem:v1+s20+$0x0], $0xffff  }
.Ltmp4:
0x89: {  	v7 =	vld [tilespmem:s13+$0x55F0];
	(pc) =	sbr.rel @p2 .LBB2_3-.Ltmp4, $3  }
0x8a: {  	v5 =	vld [tilespmem:s13+$0x4650];
	_ =	sdelay $0x1  }
0x8b: {  	s14 =	sshra.s32 s15, $0x2  }
0x8c: {  	s15 =	sadd.s32 $0x40, s15;
	v6 =	vmul.f32 v9, v4;
	v8 =	vmul.f32 v8, v4;
	v1 =	vld [tilespmem:s14+$0x12110]  }
0x8d: {  	_ = 	snop  }
0x8e: {  	v3 =	vmul.f32 v3, v4;
	v57 =	vmul.f32 v7, v2  }
0x8f: {  	v5 =	vmul.f32 v5, v2  }
0x90: {  	v0 =	vmul.f32 v0, v2;
	v3 =	vadd.f32 v57, v3  }
0x91: {  	v58 =	vld [tilespmem:s14+$0x7D0];
	v60 =	vadd.f32 v5, v8  }
0x92: {  	v59 =	vld [tilespmem:s14+$0x36B0];
	v0 =	vadd.f32 v0, v6;
	[tilespmem:s13+$0xE290] =	vst v3  }
0x93: {  	v3 =	vld [tilespmem:s14+$0x1770];
	[tilespmem:s13+$0xD2F0] =	vst v60  }
0x94: {  	v2 =	vld [tilespmem:s14+$0x2710];
	[tilespmem:s13+$0xC350] =	vst v0  }
0x95: {  	v0 =	vld.idx.msk [tilespmem:v1+s7+$0x0], $0xffff  }
0x96: {  	v61 =	vld.idx.msk [tilespmem:v1+s20+$0x0], $0xffff  }
0x97: {  	v62 =	vld [tilespmem:s14+$0x55F0]  }
0x98: {  	v63 =	vld [tilespmem:s14+$0x4650];
	_ =	sdelay $0x3  }
0x99: {  	v2 =	vmul.f32 v2, v0;
	v5 =	vmul.f32 v62, v61  }
0x9a: {  	v3 =	vmul.f32 v3, v0;
	v6 =	vmul.f32 v63, v61  }
0x9b: {  	v0 =	vmul.f32 v58, v0;
	v1 =	vmul.f32 v59, v61;
	v2 =	vadd.f32 v5, v2  }
0x9c: {  	v3 =	vadd.f32 v6, v3  }
0x9d: {  	v0 =	vadd.f32 v1, v0;
	[tilespmem:s14+$0xE290] =	vst v2  }
0x9e: {  	s16 =	sshrl.u32 s26, $0x3;
	[tilespmem:s14+$0xD2F0] =	vst v3  }
0x9f: {  	s13 =	sadd.s32 s9, s16;
	[tilespmem:s14+$0xC350] =	vst v0  }
0xa0: {  	[hbm4b:s13+s7] =	stream.linear.scatter [tilespmem:s30], [sflag:$0x3], $0xFA0, $0x38;
	[tilespmem:$0x14050] =	vst v63  }
.Ltmp5:
0xa1: {  	s12 =	sshrl.u32 s12, $0x3;
	(pc) =	sbr.rel @p1 .LBB2_8-.Ltmp5, $4  }
0xa2: {  	s11 =	sshrl.u32 s11, $0x3;
	s12 =	sadd.s32 s9, s12  }
0xa3: {  	[hbm4b:s12+s7] =	stream.linear.scatter [tilespmem:s31], [sflag:$0x3], $0xFA0, $0x38;
	[tilespmem:$0x14050] =	vst v63  }
0xa4: {  	s11 =	sadd.s32 s9, s11  }
0xa5: {  	[hbm4b:s11+s7] =	stream.linear.scatter [tilespmem:s0], [sflag:$0x3], $0xFA0, $0x38;
	[tilespmem:$0x14050] =	vst v63  }
0xa6: {  	s11 =	sadd.s32 $0x2, s28  }
0xa7: {  	p1 =	sgt.u32 s11, s10  }
0xa8: {  	s11 =	sshll.u32 @!p1 s11, $0x5  }
0xa9: {  	s11 =	sor.u32 @!p1 s8, s11  }
0xaa: {  	s11 =	smul.u32 @!p1 $0xFA0, s11;
	_ =	sdelay $0x1  }
0xab: {  	s11 =	sshrl.u32 @!p1 s11, $0x3  }
0xac: {  	s13 =	simm.s32 @!p1 $0x0;
	s14 =	simm.s32 @!p1 $0x7D0;
	s12 =	sadd.s32 @!p1 s1, s11  }
0xad: {  	[tilespmem:s14], [sflag:$0x1] =	stream.linear.gather @!p1 [hbm4b:s12+s13], $0xFA0, $0x38;
	[tilespmem:$0x14050] =	vst v63  }
0xae: {  	s12 =	sadd.s32 @!p1 s3, s11;
	s14 =	simm.s32 @!p1 $0x36B0  }
0xaf: {  	[tilespmem:s14], [sflag:$0x1] =	stream.linear.gather @!p1 [hbm4b:s12+s13], $0xFA0, $0x38;
	[tilespmem:$0x14050] =	vst v63  }
0xb0: {  	s12 =	sadd.s32 @!p1 $0x1E848, s11  }
0xb1: {  	s15 =	simm.s32 @!p1 $0x1770;
	s14 =	sadd.s32 @!p1 s1, s12  }
0xb2: {  	[tilespmem:s15], [sflag:$0x1] =	stream.linear.gather @!p1 [hbm4b:s14+s13], $0xFA0, $0x38;
	[tilespmem:$0x14050] =	vst v63  }
0xb3: {  	s12 =	sadd.s32 @!p1 s3, s12;
	s14 =	simm.s32 @!p1 $0x4650  }
0xb4: {  	[tilespmem:s14], [sflag:$0x1] =	stream.linear.gather @!p1 [hbm4b:s12+s13], $0xFA0, $0x38;
	[tilespmem:$0x14050] =	vst v63  }
0xb5: {  	s12 =	sadd.s32 @!p1 $0x3D090, s11  }
0xb6: {  	s15 =	simm.s32 @!p1 $0x2710;
	s14 =	sadd.s32 @!p1 s1, s12  }
0xb7: {  	[tilespmem:s15], [sflag:$0x1] =	stream.linear.gather @!p1 [hbm4b:s14+s13], $0xFA0, $0x38;
	[tilespmem:$0x14050] =	vst v63  }
0xb8: {  	s12 =	sadd.s32 @!p1 s3, s12;
	s14 =	simm.s32 @!p1 $0x55F0  }
0xb9: {  	[tilespmem:s14], [sflag:$0x1] =	stream.linear.gather @!p1 [hbm4b:s12+s13], $0xFA0, $0x38;
	[tilespmem:$0x14050] =	vst v63  }
0xba: {  	s11 =	sadd.s32 @!p1 s2, s11;
	s12 =	simm.s32 @!p1 $0x12110  }
0xbb: {  	[tilespmem:s12], [sflag:$0x1] =	stream.linear.gather @!p1 [hbm4b:s11+s13], $0xFA0, $0x38;
	[tilespmem:$0x14050] =	vst v63  }
0xbc: {  	_ =	swait.ge [sflag:s5], $0xFA0  }
0xbd: {  	[sflag:s5] =	ssyncset.done $0x0  }
0xbe: {  	[sflag:s5] =	ssyncadd.s32 $0xFFFFF060  }
0xbf: {  	_ =	swait.ge [sflag:s5], $0xFA0  }
0xc0: {  	[sflag:s5] =	ssyncset.done $0x0  }
0xc1: {  	[sflag:s5] =	ssyncadd.s32 $0xFFFFF060  }
0xc2: {  	_ =	swait.ge [sflag:s5], $0xFA0  }
0xc3: {  	[sflag:s5] =	ssyncset.done $0x0  }
0xc4: {  	[sflag:s5] =	ssyncadd.s32 $0xFFFFF060  }
0xc5: {  	_ =	swait.ge [sflag:s5], $0xFA0  }
0xc6: {  	[sflag:s5] =	ssyncset.done $0x0  }
0xc7: {  	[sflag:s5] =	ssyncadd.s32 $0xFFFFF060  }
0xc8: {  	_ =	swait.ge [sflag:s5], $0xFA0  }
0xc9: {  	[sflag:s5] =	ssyncset.done $0x0  }
0xca: {  	[sflag:s5] =	ssyncadd.s32 $0xFFFFF060  }
0xcb: {  	_ =	swait.ge [sflag:s5], $0xFA0  }
0xcc: {  	[sflag:s5] =	ssyncset.done $0x0  }
0xcd: {  	[sflag:s5] =	ssyncadd.s32 $0xFFFFF060  }
0xce: {  	_ =	swait.ge [sflag:s5], $0xFA0  }
0xcf: {  	[sflag:s5] =	ssyncset.done $0x0  }
0xd0: {  	s11 =	simm.s32 @!p0 $0x4;
	[sflag:s5] =	ssyncadd.s32 $0xFFFFF060  }
0xd1: {  	_ =	swait.ge @!p0 [sflag:s11], $0xFA0  }
0xd2: {  	[sflag:s11] =	ssyncset.done @!p0 $0x0  }
0xd3: {  	[sflag:s11] =	ssyncadd.s32 @!p0 $0xFFFFF060  }
0xd4: {  	_ =	swait.ge @!p0 [sflag:s11], $0xFA0  }
0xd5: {  	[sflag:s11] =	ssyncset.done @!p0 $0x0  }
0xd6: {  	[sflag:s11] =	ssyncadd.s32 @!p0 $0xFFFFF060  }
0xd7: {  	_ =	swait.ge @!p0 [sflag:s11], $0xFA0  }
0xd8: {  	[sflag:s11] =	ssyncset.done @!p0 $0x0  }
0xd9: {  	s13 =	simm.s32 $0x0;
	[sflag:s11] =	ssyncadd.s32 @!p0 $0xFFFFF060  }
0xda: {  	v1 =	vld [tilespmem:s13+$0x130B0];
	_ =	sdelay $0x2  }
0xdb: {  	v7 =	vld [tilespmem:s13+$0x6590]  }
0xdc: {  	v0 =	vld [tilespmem:s13+$0x9470]  }
0xdd: {  	v8 =	vld [tilespmem:s13+$0x7530]  }
0xde: {  	v3 =	vld [tilespmem:s13+$0x84D0]  }
0xdf: {  	v5 =	vld [tilespmem:s13+$0xB3B0]  }
0xe0: {  	v4 =	vld.idx.msk [tilespmem:v1+s7+$0x0], $0xffff  }
0xe1: {  	v2 =	vld.idx.msk [tilespmem:v1+s20+$0x0], $0xffff  }
0xe2: {  	v6 =	vld [tilespmem:s13+$0xA410];
	_ =	sdelay $0x1  }
0xe3: {  	s28 =	sadd.s32 $0x1F400, s26;
	s14 =	simm.s32 $0x10  }
0xe4: {  	s15 =	simm.s32 $0x80;
	s12 =	sadd.s32 $0x113640, s26;
	s11 =	sadd.s32 $0x207880, s26;
	v1 =	vld [tilespmem:s14+$0x130B0];
	v7 =	vmul.f32 v7, v4;
	v8 =	vmul.f32 v8, v4  }
.LBB2_6:
0xe5: {  	p0 =	sne.s32 s15, $0x3E40;
	v3 =	vmul.f32 v3, v4;
	v4 =	vmul.f32 v5, v2  }
0xe6: {  	v0 =	vmul.f32 v0, v2;
	v2 =	vmul.f32 v6, v2  }
0xe7: {  	v3 =	vadd.f32 v4, v3  }
0xe8: {  	v4 =	vadd.f32 v0, v7;
	v9 =	vld [tilespmem:s14+$0x6590];
	v2 =	vadd.f32 v2, v8  }
0xe9: {  	v0 =	vld [tilespmem:s14+$0x9470];
	[tilespmem:s13+$0x11170] =	vst v3  }
0xea: {  	v8 =	vld [tilespmem:s14+$0x7530];
	[tilespmem:s13+$0x101D0] =	vst v2  }
0xeb: {  	v3 =	vld [tilespmem:s14+$0x84D0];
	[tilespmem:s13+$0xF230] =	vst v4;
	s13 =	smov.u32 s14  }
0xec: {  	v4 =	vld.idx.msk [tilespmem:v1+s7+$0x0], $0xffff  }
0xed: {  	v2 =	vld.idx.msk [tilespmem:v1+s20+$0x0], $0xffff  }
.Ltmp6:
0xee: {  	v5 =	vld [tilespmem:s13+$0xB3B0];
	(pc) =	sbr.rel @p0 .LBB2_6-.Ltmp6, $3  }
0xef: {  	v6 =	vld [tilespmem:s13+$0xA410];
	_ =	sdelay $0x1  }
0xf0: {  	s14 =	sshra.s32 s15, $0x2  }
0xf1: {  	s15 =	sadd.s32 $0x40, s15;
	v7 =	vmul.f32 v9, v4;
	v8 =	vmul.f32 v8, v4;
	v1 =	vld [tilespmem:s14+$0x130B0]  }
0xf2: {  	_ = 	snop  }
0xf3: {  	v3 =	vmul.f32 v3, v4;
	v56 =	vmul.f32 v5, v2  }
0xf4: {  	v57 =	vmul.f32 v6, v2  }
0xf5: {  	v0 =	vmul.f32 v0, v2;
	v3 =	vadd.f32 v56, v3  }
0xf6: {  	v58 =	vld [tilespmem:s14+$0x6590];
	v60 =	vadd.f32 v57, v8  }
0xf7: {  	v59 =	vld [tilespmem:s14+$0x9470];
	v0 =	vadd.f32 v0, v7;
	[tilespmem:s13+$0x11170] =	vst v3  }
0xf8: {  	v3 =	vld [tilespmem:s14+$0x7530];
	[tilespmem:s13+$0x101D0] =	vst v60  }
0xf9: {  	v2 =	vld [tilespmem:s14+$0x84D0];
	[tilespmem:s13+$0xF230] =	vst v0  }
0xfa: {  	v0 =	vld.idx.msk [tilespmem:v1+s7+$0x0], $0xffff  }
0xfb: {  	v61 =	vld.idx.msk [tilespmem:v1+s20+$0x0], $0xffff  }
0xfc: {  	v62 =	vld [tilespmem:s14+$0xB3B0]  }
0xfd: {  	v63 =	vld [tilespmem:s14+$0xA410];
	_ =	sdelay $0x3  }
0xfe: {  	v2 =	vmul.f32 v2, v0;
	v5 =	vmul.f32 v62, v61  }
0xff: {  	v3 =	vmul.f32 v3, v0;
	v7 =	vmul.f32 v63, v61  }
0x100: {  	v0 =	vmul.f32 v58, v0;
	v1 =	vmul.f32 v59, v61;
	v2 =	vadd.f32 v5, v2  }
0x101: {  	v3 =	vadd.f32 v7, v3  }
0x102: {  	v0 =	vadd.f32 v1, v0;
	[tilespmem:s14+$0x11170] =	vst v2  }
0x103: {  	s28 =	sshrl.u32 s28, $0x3;
	[tilespmem:s14+$0x101D0] =	vst v3  }
0x104: {  	s13 =	sadd.s32 s9, s28;
	[tilespmem:s14+$0xF230] =	vst v0  }
0x105: {  	[hbm4b:s13+s7] =	stream.linear.scatter [tilespmem:s4], [sflag:$0x4], $0xFA0, $0x38;
	[tilespmem:$0x14050] =	vst v63  }
.Ltmp7:
0x106: {  	s12 =	sshrl.u32 s12, $0x3;
	(pc) =	sbr.rel .LBB2_8-.Ltmp7, $4  }
0x107: {  	s11 =	sshrl.u32 s11, $0x3;
	s12 =	sadd.s32 s9, s12  }
0x108: {  	[hbm4b:s12+s7] =	stream.linear.scatter [tilespmem:s6], [sflag:$0x4], $0xFA0, $0x38;
	[tilespmem:$0x14050] =	vst v63  }
0x109: {  	s11 =	sadd.s32 s9, s11  }
0x10a: {  	[hbm4b:s11+s7] =	stream.linear.scatter [tilespmem:s21], [sflag:$0x4], $0xFA0, $0x38;
	[tilespmem:$0x14050] =	vst v63  }
.LBB2_10:
0x10b: {  	_ =	sfence.sel $0x180000  }
0x10c: {  	[bflag:$0x0] =	sbarrier.arrive $0xFFFF  }
0x10d: {  	_ =	strace $0x90000047  }
0x10e: {  	s0 =	stileid.u32;
	[bflag:$0x2] =	sbarrier.arrive $0xFFFF  }
0x10f: {  	p0 =	sne.s32 s0, $0x0;
	s0 =	rddreg [dreg:$0x6]  }
0x110: {  	s0 =	sadd.s32 @!p0 $0x100000, s0  }
0x111: {  	[sflag:s0] =	ssyncadd.tile.s32 @!p0 $0x1;
	_ =	shalt  }
.Lfunc_end2:
_tile_overlayer_lowered:
.L_overlay_start_2:
0x112: {  	(tag) =	ssettag $0x2  }
0x113: {  	s0 =	rddreg [dreg:$0x0];
	s2 =	stileid.u32  }
0x114: {  	s1 =	rddreg [dreg:$0x1];
	p0 =	sne.s32 s2, $0x0  }
0x115: {  	s3 =	rddreg [dreg:$0x2];
	[bflag:$0x3] =	sbarrier.arrive $0xFFFF;
	s2 =	simm.s32 @!p0 $0x1C05  }
0x116: {  	[timem:s3], [sflag:s2] =	dma.local @!p0 [hbm:s0], s1  }
0x117: {  	s0 =	simm.s32 @!p0 $0x5  }
0x118: {  	_ =	swait.ge @!p0 [sflag:s0], s1  }
0x119: {  	s1 =	ssub.s32 @!p0 $0x0, s1;
	[sflag:s0] =	ssyncset.done @!p0 $0x0  }
0x11a: {  	[sflag:s0] =	ssyncadd.s32 @!p0 s1  }
0x11b: {  	[bflag:$0x3] =	sbarrier.arrive $0xFFFF  }
0x11c: {  	_ =	shalt  }

</sc_bundles>
